<compile_context>
chip_gen: v7x
topology: tpu7x:2x2x1
jax: 0.10.2.dev20260603
libtpu: 0.0.44.dev20260713+nightly
codegen_flags: <defaults>
</compile_context>

<pallas_src>
import functools

import jax
import jax.numpy as jnp
from jax import lax
from jax.experimental import pallas as pl
from jax.experimental.pallas import tpu as pltpu
from jax.experimental.pallas import tpu_sc as plsc

_N = 10000
_E = 320000
_D = 128
_NC = 2
_NS = 16
_NW = _NC * _NS
_EB = 128
_NBLK = _E // _EB
_BPT = _NBLK // _NW
_EXTRA = _NBLK - _BPT * _NW
_RS = 624
_RTAIL = _N - _RS * _NS



@functools.partial(
    pl.kernel,
    out_type=jax.ShapeDtypeStruct((2 * _N, _D), jnp.float32),
    mesh=plsc.VectorSubcoreMesh(core_axis_name="c", subcore_axis_name="s"),
    scratch_types=[
        pltpu.VMEM((_EB,), jnp.int32),
        pltpu.VMEM((_EB,), jnp.int32),
        pltpu.VMEM((_EB,), jnp.int32),
        pltpu.VMEM((_EB,), jnp.int32),
        pltpu.VMEM((_EB, _D), jnp.float32),
        pltpu.VMEM((_EB, _D), jnp.float32),
        pltpu.SemaphoreType.DMA,
        pltpu.SemaphoreType.DMA,
        pltpu.SemaphoreType.DMA,
        pltpu.SemaphoreType.DMA,
        pltpu.VMEM_SHARED((_N, _D), jnp.float32),
    ],
)
def _sc_scatter(u_hbm, srcb_hbm, dstb_hbm, out_hbm, sidx0, sidx1, didx0,
                didx1, rows0, rows1, gsem0, gsem1, isem0, isem1, acc_sh):
    c = lax.axis_index("c")
    s = lax.axis_index("s")
    wid = c * _NS + s
    base = wid * _BPT

    pltpu.sync_copy(u_hbm.at[pl.ds(s * _RS, _RS)],
                    acc_sh.at[pl.ds(s * _RS, _RS)])

    @pl.when(s == _NS - 1)
    def _():
        pltpu.sync_copy(u_hbm.at[pl.ds(_NS * _RS, _RTAIL)],
                        acc_sh.at[pl.ds(_NS * _RS, _RTAIL)])

    plsc.subcore_barrier()

    def _lda(b, sv, dv, sem):
        pltpu.async_copy(srcb_hbm.at[pl.ds(b * _EB, _EB)], sv, sem)
        pltpu.async_copy(dstb_hbm.at[pl.ds(b * _EB, _EB)], dv, sem)

    def _wda(b, sv, dv, sem):
        pltpu.make_async_copy(srcb_hbm.at[pl.ds(b * _EB, _EB)], sv,
                              sem).wait()
        pltpu.make_async_copy(dstb_hbm.at[pl.ds(b * _EB, _EB)], dv,
                              sem).wait()

    @pl.when(wid < _EXTRA)
    def _():
        b = _NW * _BPT + wid
        _lda(b, sidx0, didx0, isem0)
        _wda(b, sidx0, didx0, isem0)
        pltpu.sync_copy(u_hbm.at[sidx0], rows0)
        pltpu.sync_copy(rows0, acc_sh.at[didx0], add=True)

    _lda(base, sidx0, didx0, isem0)
    _wda(base, sidx0, didx0, isem0)
    pltpu.async_copy(u_hbm.at[sidx0], rows0, gsem0)
    _lda(base + 1, sidx1, didx1, isem1)

    @pl.loop(0, _BPT // 2)
    def _(j):
        i0 = base + 2 * j
        pltpu.make_async_copy(u_hbm.at[sidx0], rows0, gsem0).wait()
        _wda(i0 + 1, sidx1, didx1, isem1)
        pltpu.async_copy(u_hbm.at[sidx1], rows1, gsem1)
        pltpu.sync_copy(rows0, acc_sh.at[didx0], add=True)
        _lda(i0 + 2, sidx0, didx0, isem0)
        pltpu.make_async_copy(u_hbm.at[sidx1], rows1, gsem1).wait()
        _wda(i0 + 2, sidx0, didx0, isem0)
        pltpu.async_copy(u_hbm.at[sidx0], rows0, gsem0)
        pltpu.sync_copy(rows1, acc_sh.at[didx1], add=True)
        _lda(i0 + 3, sidx1, didx1, isem1)

    pltpu.make_async_copy(u_hbm.at[sidx0], rows0, gsem0).wait()
    _wda(base + _BPT + 1, sidx1, didx1, isem1)

    plsc.subcore_barrier()
    pltpu.sync_copy(acc_sh.at[pl.ds(s * _RS, _RS)],
                    out_hbm.at[pl.ds(c * _N + s * _RS, _RS)])

    @pl.when(s == _NS - 1)
    def _():
        pltpu.sync_copy(acc_sh.at[pl.ds(_NS * _RS, _RTAIL)],
                        out_hbm.at[pl.ds(c * _N + _NS * _RS, _RTAIL)])



@functools.partial(
    pl.kernel,
    out_type=jax.ShapeDtypeStruct((2 * _N, _D), jnp.float32),
    mesh=plsc.VectorSubcoreMesh(core_axis_name="c", subcore_axis_name="s"),
    scratch_types=[
        pltpu.VMEM((_EB,), jnp.int32),
        pltpu.VMEM((_EB,), jnp.int32),
        pltpu.VMEM((_EB, _D), jnp.float32),
        pltpu.SemaphoreType.DMA,
        pltpu.SemaphoreType.DMA,
        pltpu.VMEM_SHARED((_N, _D), jnp.float32),
    ],
)
def _sc_degree(ones_hbm, dstb_hbm, out_hbm, didx0, didx1, ones_v, isem0,
               isem1, acc_sh):
    c = lax.axis_index("c")
    s = lax.axis_index("s")
    wid = c * _NS + s
    base = wid * _BPT

    pltpu.sync_copy(ones_hbm.at[pl.ds(0, _EB)], ones_v)
    pltpu.sync_copy(ones_hbm.at[pl.ds(s * _RS, _RS)],
                    acc_sh.at[pl.ds(s * _RS, _RS)])

    @pl.when(s == _NS - 1)
    def _():
        pltpu.sync_copy(ones_hbm.at[pl.ds(_NS * _RS, _RTAIL)],
                        acc_sh.at[pl.ds(_NS * _RS, _RTAIL)])

    plsc.subcore_barrier()

    def _ld(b, dv, sem):
        pltpu.async_copy(dstb_hbm.at[pl.ds(b * _EB, _EB)], dv, sem)

    def _wd(b, dv, sem):
        pltpu.make_async_copy(dstb_hbm.at[pl.ds(b * _EB, _EB)], dv,
                              sem).wait()

    @pl.when(wid < _EXTRA)
    def _():
        b = _NW * _BPT + wid
        _ld(b, didx0, isem0)
        _wd(b, didx0, isem0)
        pltpu.sync_copy(ones_v, acc_sh.at[didx0], add=True)

    _ld(base, didx0, isem0)
    _ld(base + 1, didx1, isem1)

    @pl.loop(0, _BPT // 2)
    def _(j):
        i0 = base + 2 * j
        _wd(i0, didx0, isem0)
        pltpu.sync_copy(ones_v, acc_sh.at[didx0], add=True)
        _ld(i0 + 2, didx0, isem0)
        _wd(i0 + 1, didx1, isem1)
        pltpu.sync_copy(ones_v, acc_sh.at[didx1], add=True)
        _ld(i0 + 3, didx1, isem1)

    _wd(base + _BPT, didx0, isem0)
    _wd(base + _BPT + 1, didx1, isem1)

    plsc.subcore_barrier()
    pltpu.sync_copy(acc_sh.at[pl.ds(s * _RS, _RS)],
                    out_hbm.at[pl.ds(c * _N + s * _RS, _RS)])

    @pl.when(s == _NS - 1)
    def _():
        pltpu.sync_copy(acc_sh.at[pl.ds(_NS * _RS, _RTAIL)],
                        out_hbm.at[pl.ds(c * _N + _NS * _RS, _RTAIL)])



_BN = 1000
_GN = _N // _BN


def _mm_body(x_ref, w_ref, y_ref):
    y_ref[...] = lax.dot_general(
        x_ref[...], w_ref[...], (((1,), (1,)), ((), ())),
        preferred_element_type=jnp.float32)


def _tc_matmul(x, W):
    return pl.pallas_call(
        _mm_body,
        grid=(_GN,),
        in_specs=[pl.BlockSpec((_BN, _D), lambda i: (i, 0)),
                  pl.BlockSpec((_D, _D), lambda i: (0, 0))],
        out_specs=pl.BlockSpec((_BN, _D), lambda i: (i, 0)),
        out_shape=jax.ShapeDtypeStruct((_N, _D), jnp.float32),
    )(x, W)


def _u0_body(y_ref, d0_ref, d1_ref, u0_ref, dv_ref):
    deg = d0_ref[...] + d1_ref[...] - 1.0
    dv = lax.rsqrt(deg)
    u0_ref[...] = dv * y_ref[...]
    dv_ref[...] = dv


def _tc_u0(y, degp):
    return pl.pallas_call(
        _u0_body,
        grid=(_GN,),
        in_specs=[pl.BlockSpec((_BN, _D), lambda i: (i, 0)),
                  pl.BlockSpec((_BN, _D), lambda i: (i, 0)),
                  pl.BlockSpec((_BN, _D), lambda i: (i + _GN, 0))],
        out_specs=[pl.BlockSpec((_BN, _D), lambda i: (i, 0)),
                   pl.BlockSpec((_BN, _D), lambda i: (i, 0))],
        out_shape=[jax.ShapeDtypeStruct((_N, _D), jnp.float32),
                   jax.ShapeDtypeStruct((_N, _D), jnp.float32)],
    )(y, degp, degp)


def _u1_body(p0_ref, p1_ref, u0_ref, dv_ref, u1_ref):
    dv = dv_ref[...]
    u1_ref[...] = dv * dv * (p0_ref[...] + p1_ref[...] - u0_ref[...])


def _tc_u1(p, u0, dvb):
    return pl.pallas_call(
        _u1_body,
        grid=(_GN,),
        in_specs=[pl.BlockSpec((_BN, _D), lambda i: (i, 0)),
                  pl.BlockSpec((_BN, _D), lambda i: (i + _GN, 0)),
                  pl.BlockSpec((_BN, _D), lambda i: (i, 0)),
                  pl.BlockSpec((_BN, _D), lambda i: (i, 0))],
        out_specs=pl.BlockSpec((_BN, _D), lambda i: (i, 0)),
        out_shape=jax.ShapeDtypeStruct((_N, _D), jnp.float32),
    )(p, p, u0, dvb)


def _fin_body(q0_ref, q1_ref, u1_ref, dv_ref, b_ref, o_ref):
    o_ref[...] = (dv_ref[...] * (q0_ref[...] + q1_ref[...] - u1_ref[...])
                  + b_ref[...])


def _tc_final(q, u1, dvb, b2d):
    return pl.pallas_call(
        _fin_body,
        grid=(_GN,),
        in_specs=[pl.BlockSpec((_BN, _D), lambda i: (i, 0)),
                  pl.BlockSpec((_BN, _D), lambda i: (i + _GN, 0)),
                  pl.BlockSpec((_BN, _D), lambda i: (i, 0)),
                  pl.BlockSpec((_BN, _D), lambda i: (i, 0)),
                  pl.BlockSpec((1, _D), lambda i: (0, 0))],
        out_specs=pl.BlockSpec((_BN, _D), lambda i: (i, 0)),
        out_shape=jax.ShapeDtypeStruct((_N, _D), jnp.float32),
    )(q, q, u1, dvb, b2d)



def kernel(x, edge_index, W, b):
    src = edge_index[0]
    dst = edge_index[1]
    ones = jnp.ones((_N, _D), jnp.float32)
    y = _tc_matmul(x, W)
    degp = _sc_degree(ones, dst)
    u0, dvb = _tc_u0(y, degp)
    p = _sc_scatter(u0, src, dst)
    u1 = _tc_u1(p, u0, dvb)
    q = _sc_scatter(u1, src, dst)
    return _tc_final(q, u1, dvb, b.reshape(1, _D))

# --- scband reference (transcript-rebuilt; emitter-appended) ---
"""Pipeline reference for scband-sgc-27504970563787 (READ-ONLY COPY).

The authoritative reference and input builder live on the scoring server;
editing this copy changes nothing except your own understanding.
"""

import jax, jax.numpy as jnp
import numpy as np

N = 10000
E = 320000
D_IN = 128
D_OUT = 128
K = 2


def setup_inputs(seed: int = 0) -> dict:
    key = jax.random.key(seed)
    k1, k2, k3 = jax.random.split(key, 3)
    x = jax.random.normal(k1, (N, D_IN), dtype=jnp.float32)
    edge_index = jax.random.randint(k2, (2, E), 0, N, dtype=jnp.int32)
    W = jax.random.normal(k3, (D_OUT, D_IN), dtype=jnp.float32) * (1.0 / np.sqrt(D_IN))
    b = jnp.zeros((D_OUT,), dtype=jnp.float32)
    return {"x": x, "edge_index": edge_index, "W": W, "b": b}


def reference(x, edge_index, W, b):
    # SGConv: K-step symmetric-normalized propagation (with self-loops), then Linear.
    src = edge_index[0]
    dst = edge_index[1]
    loop = jnp.arange(N, dtype=edge_index.dtype)
    src = jnp.concatenate([src, loop])
    dst = jnp.concatenate([dst, loop])
    deg = jnp.zeros((N,), dtype=x.dtype).at[dst].add(1.0)
    dinv = jnp.where(deg > 0, deg ** -0.5, 0.0)
    norm = dinv[src] * dinv[dst]
    h = x
    for _ in range(K):
        h = jax.ops.segment_sum(norm[:, None] * h[src], dst, num_segments=N)
    return h @ W.T + b

if __name__ == "__main__":
    import jax
    _d = setup_inputs()
    print(jax.jit(kernel)(*tuple(_d.values())))

</pallas_src>

<mosaic_0001>
#map = affine_map<(d0, d1) -> (0, 0)>
#map1 = affine_map<(d0, d1) -> (0)>
module attributes {stable_mosaic.version = 14 : i64} {
  func.func @_sc_degree(%arg0: i32, %arg1: i32, %arg2: memref<10000x128xf32, #tpu.memory_space<hbm>>, %arg3: memref<320000xi32, #tpu.memory_space<hbm>>, %arg4: memref<20000x128xf32, #tpu.memory_space<hbm>>, %arg5: memref<128xi32, #tpu.memory_space<vmem>>, %arg6: memref<128xi32, #tpu.memory_space<vmem>>, %arg7: memref<128x128xf32, #tpu.memory_space<vmem>>, %arg8: memref<!tpu.dma_semaphore, #tpu.memory_space<semaphore_mem>>, %arg9: memref<!tpu.dma_semaphore, #tpu.memory_space<semaphore_mem>>, %arg10: memref<10000x128xf32, #tpu.memory_space<vmem_shared>>) attributes {dimension_semantics = [#tpu.dimension_semantics<core_parallel>, #tpu.dimension_semantics<subcore_parallel>], iteration_bounds = array<i64: 2, 16>, scalar_prefetch = 0 : i64, scratch_operands = 6 : i64, tpu.core_type = #tpu.core_type<sc_vector_subcore>, window_params = [{transform_indices = #map}, {transform_indices = #map1}, {transform_indices = #map}]} {
    %mul3A = arith.constant 16 : i32
    %mul3A_0 = arith.muli %arg0, %mul3A : i32
    %add3A = arith.addi %mul3A_0, %arg1 : i32
    %mul3A_1 = arith.constant 78 : i32
    %mul3A_2 = arith.muli %add3A, %mul3A_1 : i32
    "tpu.region"() ({
      %run_scoped3A = tpu.sem_alloc : memref<!tpu.dma_semaphore, #tpu.memory_space<semaphore_mem>>
      %dma_start3A_52 = arith.constant 0 : i32
      %dma_start3A_53 = arith.constant 0 : i32
      %dma_start3A_54 = tpu.memref_slice %arg2[%dma_start3A_52, %dma_start3A_53] : memref<10000x128xf32, #tpu.memory_space<hbm>> -> memref<128x128xf32, #tpu.memory_space<hbm>>
      %dma_start3A_55 = arith.constant 0 : i32
      %dma_start3A_56 = arith.constant 0 : i32
      %dma_start3A_57 = tpu.memref_slice %arg2[%dma_start3A_55, %dma_start3A_56] : memref<10000x128xf32, #tpu.memory_space<hbm>> -> memref<128x128xf32, #tpu.memory_space<hbm>>
      tpu.enqueue_dma source(%dma_start3A_57 : memref<128x128xf32, #tpu.memory_space<hbm>>) target(%arg7 : memref<128x128xf32, #tpu.memory_space<vmem>>) target_semaphore(%run_scoped3A : memref<!tpu.dma_semaphore, #tpu.memory_space<semaphore_mem>>)
      %dma_wait3A_58 = arith.constant 0 : i32
      %dma_wait3A_59 = arith.constant 0 : i32
      %dma_wait3A_60 = tpu.memref_slice %arg2[%dma_wait3A_58, %dma_wait3A_59] : memref<10000x128xf32, #tpu.memory_space<hbm>> -> memref<128x128xf32, #tpu.memory_space<hbm>>
      %dma_wait3A_61 = arith.constant 0 : i32
      %dma_wait3A_62 = arith.constant 0 : i32
      %dma_wait3A_63 = tpu.memref_slice %arg2[%dma_wait3A_61, %dma_wait3A_62] : memref<10000x128xf32, #tpu.memory_space<hbm>> -> memref<128x128xf32, #tpu.memory_space<hbm>>
      tpu.wait_dma2 semaphore(%run_scoped3A : memref<!tpu.dma_semaphore, #tpu.memory_space<semaphore_mem>>) src(%dma_wait3A_63 : memref<128x128xf32, #tpu.memory_space<hbm>>) dst(%arg7 : memref<128x128xf32, #tpu.memory_space<vmem>>)
      tpu.yield
    }) : () -> ()
    %mul3A_3 = arith.constant 624 : i32
    %mul3A_4 = arith.muli %arg1, %mul3A_3 : i32
    %mul3A_5 = arith.constant 624 : i32
    %mul3A_6 = arith.muli %arg1, %mul3A_5 : i32
    "tpu.region"() ({
      %run_scoped3A = tpu.sem_alloc : memref<!tpu.dma_semaphore, #tpu.memory_space<semaphore_mem>>
      %dma_start3A_52 = arith.constant 0 : i32
      %dma_start3A_53 = tpu.memref_slice %arg10[%mul3A_6, %dma_start3A_52] : memref<10000x128xf32, #tpu.memory_space<vmem_shared>> -> memref<624x128xf32, #tpu.memory_space<vmem_shared>>
      %dma_start3A_54 = arith.constant 0 : i32
      %dma_start3A_55 = tpu.memref_slice %arg2[%mul3A_4, %dma_start3A_54] : memref<10000x128xf32, #tpu.memory_space<hbm>> -> memref<624x128xf32, #tpu.memory_space<hbm>>
      tpu.enqueue_dma source(%dma_start3A_55 : memref<624x128xf32, #tpu.memory_space<hbm>>) target(%dma_start3A_53 : memref<624x128xf32, #tpu.memory_space<vmem_shared>>) target_semaphore(%run_scoped3A : memref<!tpu.dma_semaphore, #tpu.memory_space<semaphore_mem>>)
      %dma_wait3A_56 = arith.constant 0 : i32
      %dma_wait3A_57 = tpu.memref_slice %arg10[%mul3A_6, %dma_wait3A_56] : memref<10000x128xf32, #tpu.memory_space<vmem_shared>> -> memref<624x128xf32, #tpu.memory_space<vmem_shared>>
      %dma_wait3A_58 = arith.constant 0 : i32
      %dma_wait3A_59 = tpu.memref_slice %arg2[%mul3A_4, %dma_wait3A_58] : memref<10000x128xf32, #tpu.memory_space<hbm>> -> memref<624x128xf32, #tpu.memory_space<hbm>>
      tpu.wait_dma2 semaphore(%run_scoped3A : memref<!tpu.dma_semaphore, #tpu.memory_space<semaphore_mem>>) src(%dma_wait3A_59 : memref<624x128xf32, #tpu.memory_space<hbm>>) dst(%dma_wait3A_57 : memref<624x128xf32, #tpu.memory_space<vmem_shared>>)
      tpu.yield
    }) : () -> ()
    %eq3A = arith.constant 15 : i32
    %eq3A_7 = arith.cmpi eq, %arg1, %eq3A : i32
    %convert_element_type3A = arith.extui %eq3A_7 : i1 to i32
    %cond3A = arith.constant 0 : i32
    %cond3A_8 = arith.cmpi ne, %convert_element_type3A, %cond3A : i32
    scf.if %cond3A_8 {
      "tpu.region"() ({
        %run_scoped3A = tpu.sem_alloc : memref<!tpu.dma_semaphore, #tpu.memory_space<semaphore_mem>>
        %dma_start3A_52 = arith.constant 9984 : i32
        %dma_start3A_53 = arith.constant 0 : i32
        %dma_start3A_54 = tpu.memref_slice %arg10[%dma_start3A_52, %dma_start3A_53] : memref<10000x128xf32, #tpu.memory_space<vmem_shared>> -> memref<16x128xf32, #tpu.memory_space<vmem_shared>>
        %dma_start3A_55 = arith.constant 9984 : i32
        %dma_start3A_56 = arith.constant 0 : i32
        %dma_start3A_57 = tpu.memref_slice %arg2[%dma_start3A_55, %dma_start3A_56] : memref<10000x128xf32, #tpu.memory_space<hbm>> -> memref<16x128xf32, #tpu.memory_space<hbm>>
        tpu.enqueue_dma source(%dma_start3A_57 : memref<16x128xf32, #tpu.memory_space<hbm>>) target(%dma_start3A_54 : memref<16x128xf32, #tpu.memory_space<vmem_shared>>) target_semaphore(%run_scoped3A : memref<!tpu.dma_semaphore, #tpu.memory_space<semaphore_mem>>)
        %dma_wait3A_58 = arith.constant 9984 : i32
        %dma_wait3A_59 = arith.constant 0 : i32
        %dma_wait3A_60 = tpu.memref_slice %arg10[%dma_wait3A_58, %dma_wait3A_59] : memref<10000x128xf32, #tpu.memory_space<vmem_shared>> -> memref<16x128xf32, #tpu.memory_space<vmem_shared>>
        %dma_wait3A_61 = arith.constant 9984 : i32
        %dma_wait3A_62 = arith.constant 0 : i32
        %dma_wait3A_63 = tpu.memref_slice %arg2[%dma_wait3A_61, %dma_wait3A_62] : memref<10000x128xf32, #tpu.memory_space<hbm>> -> memref<16x128xf32, #tpu.memory_space<hbm>>
        tpu.wait_dma2 semaphore(%run_scoped3A : memref<!tpu.dma_semaphore, #tpu.memory_space<semaphore_mem>>) src(%dma_wait3A_63 : memref<16x128xf32, #tpu.memory_space<hbm>>) dst(%dma_wait3A_60 : memref<16x128xf32, #tpu.memory_space<vmem_shared>>)
        tpu.yield
      }) : () -> ()
    } else {
    }
    %barrier3A = arith.constant 0 : index
    tpu.barrier barrier_id(%barrier3A)
    %lt3A = arith.constant 4 : i32
    %lt3A_9 = arith.cmpi slt, %add3A, %lt3A : i32
    %convert_element_type3A_10 = arith.extui %lt3A_9 : i1 to i32
    %cond3A_11 = arith.constant 0 : i32
    %cond3A_12 = arith.cmpi ne, %convert_element_type3A_10, %cond3A_11 : i32
    scf.if %cond3A_12 {
      %add3A_52 = arith.constant 2496 : i32
      %add3A_53 = arith.addi %add3A_52, %add3A : i32
      %mul3A_54 = arith.constant 128 : i32
      %mul3A_55 = arith.muli %add3A_53, %mul3A_54 : i32
      %dma_start3A_56 = tpu.memref_slice %arg3[%mul3A_55] : memref<320000xi32, #tpu.memory_space<hbm>> -> memref<128xi32, #tpu.memory_space<hbm>>
      %dma_start3A_57 = tpu.memref_slice %arg3[%mul3A_55] : memref<320000xi32, #tpu.memory_space<hbm>> -> memref<128xi32, #tpu.memory_space<hbm>>
      tpu.enqueue_dma source(%dma_start3A_57 : memref<128xi32, #tpu.memory_space<hbm>>) target(%arg5 : memref<128xi32, #tpu.memory_space<vmem>>) target_semaphore(%arg8 : memref<!tpu.dma_semaphore, #tpu.memory_space<semaphore_mem>>)
      %mul3A_58 = arith.constant 128 : i32
      %mul3A_59 = arith.muli %add3A_53, %mul3A_58 : i32
      %dma_wait3A_60 = tpu.memref_slice %arg3[%mul3A_59] : memref<320000xi32, #tpu.memory_space<hbm>> -> memref<128xi32, #tpu.memory_space<hbm>>
      %dma_wait3A_61 = tpu.memref_slice %arg3[%mul3A_59] : memref<320000xi32, #tpu.memory_space<hbm>> -> memref<128xi32, #tpu.memory_space<hbm>>
      tpu.wait_dma2 semaphore(%arg8 : memref<!tpu.dma_semaphore, #tpu.memory_space<semaphore_mem>>) src(%dma_wait3A_61 : memref<128xi32, #tpu.memory_space<hbm>>) dst(%arg5 : memref<128xi32, #tpu.memory_space<vmem>>)
      "tpu.region"() ({
        %run_scoped3A = tpu.sem_alloc : memref<!tpu.dma_semaphore, #tpu.memory_space<semaphore_mem>>
        %dma_start3A_62 = arith.constant 0 : i32
        %dma_start3A_63 = arith.constant 0 : i32
        %dma_start3A_64 = tpu.memref_slice %arg10[%dma_start3A_62, %dma_start3A_63] : memref<10000x128xf32, #tpu.memory_space<vmem_shared>> -> memref<10000x128xf32, #tpu.memory_space<vmem_shared>>
        tpu.enqueue_indirect_dma source(%arg7 : memref<128x128xf32, #tpu.memory_space<vmem>>) target(%dma_start3A_64 : memref<10000x128xf32, #tpu.memory_space<vmem_shared>>) offsets(%arg5 : memref<128xi32, #tpu.memory_space<vmem>>) semaphore(%run_scoped3A : memref<!tpu.dma_semaphore, #tpu.memory_space<semaphore_mem>>) {add = true}
        %dma_wait3A_65 = arith.constant 0 : i32
        %dma_wait3A_66 = arith.constant 0 : i32
        %dma_wait3A_67 = tpu.memref_slice %arg10[%dma_wait3A_65, %dma_wait3A_66] : memref<10000x128xf32, #tpu.memory_space<vmem_shared>> -> memref<10000x128xf32, #tpu.memory_space<vmem_shared>>
        tpu.wait_indirect_dma semaphore(%run_scoped3A : memref<!tpu.dma_semaphore, #tpu.memory_space<semaphore_mem>>) src(%arg7 : memref<128x128xf32, #tpu.memory_space<vmem>>) dst(%dma_wait3A_67 : memref<10000x128xf32, #tpu.memory_space<vmem_shared>>)
        tpu.yield
      }) : () -> ()
    } else {
    }
    %mul3A_13 = arith.constant 128 : i32
    %mul3A_14 = arith.muli %mul3A_2, %mul3A_13 : i32
    %dma_start3A = tpu.memref_slice %arg3[%mul3A_14] : memref<320000xi32, #tpu.memory_space<hbm>> -> memref<128xi32, #tpu.memory_space<hbm>>
    %dma_start3A_15 = tpu.memref_slice %arg3[%mul3A_14] : memref<320000xi32, #tpu.memory_space<hbm>> -> memref<128xi32, #tpu.memory_space<hbm>>
    tpu.enqueue_dma source(%dma_start3A_15 : memref<128xi32, #tpu.memory_space<hbm>>) target(%arg5 : memref<128xi32, #tpu.memory_space<vmem>>) target_semaphore(%arg8 : memref<!tpu.dma_semaphore, #tpu.memory_space<semaphore_mem>>)
    %add3A_16 = arith.constant 1 : i32
    %add3A_17 = arith.addi %mul3A_2, %add3A_16 : i32
    %mul3A_18 = arith.constant 128 : i32
    %mul3A_19 = arith.muli %add3A_17, %mul3A_18 : i32
    %dma_start3A_20 = tpu.memref_slice %arg3[%mul3A_19] : memref<320000xi32, #tpu.memory_space<hbm>> -> memref<128xi32, #tpu.memory_space<hbm>>
    %dma_start3A_21 = tpu.memref_slice %arg3[%mul3A_19] : memref<320000xi32, #tpu.memory_space<hbm>> -> memref<128xi32, #tpu.memory_space<hbm>>
    tpu.enqueue_dma source(%dma_start3A_21 : memref<128xi32, #tpu.memory_space<hbm>>) target(%arg6 : memref<128xi32, #tpu.memory_space<vmem>>) target_semaphore(%arg9 : memref<!tpu.dma_semaphore, #tpu.memory_space<semaphore_mem>>)
    %scan3A = arith.constant 0 : i32
    %scan3A_22 = arith.constant 39 : i32
    %scan3A_23 = arith.addi %scan3A, %scan3A_22 : i32
    %scan3A_24 = arith.constant 1 : i32
    scf.for %scan3A_52 = %scan3A to %scan3A_23 step %scan3A_24  : i32 {
      %mul3A_53 = arith.constant 1 : i32
      %mul3A_54 = arith.muli %scan3A_52, %mul3A_53 : i32
      %add3A_55 = arith.constant 0 : i32
      %add3A_56 = arith.addi %add3A_55, %mul3A_54 : i32
      %mul3A_57 = arith.constant 2 : i32
      %mul3A_58 = arith.muli %mul3A_57, %add3A_56 : i32
      %add3A_59 = arith.addi %mul3A_2, %mul3A_58 : i32
      %mul3A_60 = arith.constant 128 : i32
      %mul3A_61 = arith.muli %add3A_59, %mul3A_60 : i32
      %dma_wait3A_62 = tpu.memref_slice %arg3[%mul3A_61] : memref<320000xi32, #tpu.memory_space<hbm>> -> memref<128xi32, #tpu.memory_space<hbm>>
      %dma_wait3A_63 = tpu.memref_slice %arg3[%mul3A_61] : memref<320000xi32, #tpu.memory_space<hbm>> -> memref<128xi32, #tpu.memory_space<hbm>>
      tpu.wait_dma2 semaphore(%arg8 : memref<!tpu.dma_semaphore, #tpu.memory_space<semaphore_mem>>) src(%dma_wait3A_63 : memref<128xi32, #tpu.memory_space<hbm>>) dst(%arg5 : memref<128xi32, #tpu.memory_space<vmem>>)
      "tpu.region"() ({
        %run_scoped3A = tpu.sem_alloc : memref<!tpu.dma_semaphore, #tpu.memory_space<semaphore_mem>>
        %dma_start3A_82 = arith.constant 0 : i32
        %dma_start3A_83 = arith.constant 0 : i32
        %dma_start3A_84 = tpu.memref_slice %arg10[%dma_start3A_82, %dma_start3A_83] : memref<10000x128xf32, #tpu.memory_space<vmem_shared>> -> memref<10000x128xf32, #tpu.memory_space<vmem_shared>>
        tpu.enqueue_indirect_dma source(%arg7 : memref<128x128xf32, #tpu.memory_space<vmem>>) target(%dma_start3A_84 : memref<10000x128xf32, #tpu.memory_space<vmem_shared>>) offsets(%arg5 : memref<128xi32, #tpu.memory_space<vmem>>) semaphore(%run_scoped3A : memref<!tpu.dma_semaphore, #tpu.memory_space<semaphore_mem>>) {add = true}
        %dma_wait3A_85 = arith.constant 0 : i32
        %dma_wait3A_86 = arith.constant 0 : i32
        %dma_wait3A_87 = tpu.memref_slice %arg10[%dma_wait3A_85, %dma_wait3A_86] : memref<10000x128xf32, #tpu.memory_space<vmem_shared>> -> memref<10000x128xf32, #tpu.memory_space<vmem_shared>>
        tpu.wait_indirect_dma semaphore(%run_scoped3A : memref<!tpu.dma_semaphore, #tpu.memory_space<semaphore_mem>>) src(%arg7 : memref<128x128xf32, #tpu.memory_space<vmem>>) dst(%dma_wait3A_87 : memref<10000x128xf32, #tpu.memory_space<vmem_shared>>)
        tpu.yield
      }) : () -> ()
      %add3A_64 = arith.constant 2 : i32
      %add3A_65 = arith.addi %add3A_59, %add3A_64 : i32
      %mul3A_66 = arith.constant 128 : i32
      %mul3A_67 = arith.muli %add3A_65, %mul3A_66 : i32
      %dma_start3A_68 = tpu.memref_slice %arg3[%mul3A_67] : memref<320000xi32, #tpu.memory_space<hbm>> -> memref<128xi32, #tpu.memory_space<hbm>>
      %dma_start3A_69 = tpu.memref_slice %arg3[%mul3A_67] : memref<320000xi32, #tpu.memory_space<hbm>> -> memref<128xi32, #tpu.memory_space<hbm>>
      tpu.enqueue_dma source(%dma_start3A_69 : memref<128xi32, #tpu.memory_space<hbm>>) target(%arg5 : memref<128xi32, #tpu.memory_space<vmem>>) target_semaphore(%arg8 : memref<!tpu.dma_semaphore, #tpu.memory_space<semaphore_mem>>)
      %add3A_70 = arith.constant 1 : i32
      %add3A_71 = arith.addi %add3A_59, %add3A_70 : i32
      %mul3A_72 = arith.constant 128 : i32
      %mul3A_73 = arith.muli %add3A_71, %mul3A_72 : i32
      %dma_wait3A_74 = tpu.memref_slice %arg3[%mul3A_73] : memref<320000xi32, #tpu.memory_space<hbm>> -> memref<128xi32, #tpu.memory_space<hbm>>
      %dma_wait3A_75 = tpu.memref_slice %arg3[%mul3A_73] : memref<320000xi32, #tpu.memory_space<hbm>> -> memref<128xi32, #tpu.memory_space<hbm>>
      tpu.wait_dma2 semaphore(%arg9 : memref<!tpu.dma_semaphore, #tpu.memory_space<semaphore_mem>>) src(%dma_wait3A_75 : memref<128xi32, #tpu.memory_space<hbm>>) dst(%arg6 : memref<128xi32, #tpu.memory_space<vmem>>)
      "tpu.region"() ({
        %run_scoped3A = tpu.sem_alloc : memref<!tpu.dma_semaphore, #tpu.memory_space<semaphore_mem>>
        %dma_start3A_82 = arith.constant 0 : i32
        %dma_start3A_83 = arith.constant 0 : i32
        %dma_start3A_84 = tpu.memref_slice %arg10[%dma_start3A_82, %dma_start3A_83] : memref<10000x128xf32, #tpu.memory_space<vmem_shared>> -> memref<10000x128xf32, #tpu.memory_space<vmem_shared>>
        tpu.enqueue_indirect_dma source(%arg7 : memref<128x128xf32, #tpu.memory_space<vmem>>) target(%dma_start3A_84 : memref<10000x128xf32, #tpu.memory_space<vmem_shared>>) offsets(%arg6 : memref<128xi32, #tpu.memory_space<vmem>>) semaphore(%run_scoped3A : memref<!tpu.dma_semaphore, #tpu.memory_space<semaphore_mem>>) {add = true}
        %dma_wait3A_85 = arith.constant 0 : i32
        %dma_wait3A_86 = arith.constant 0 : i32
        %dma_wait3A_87 = tpu.memref_slice %arg10[%dma_wait3A_85, %dma_wait3A_86] : memref<10000x128xf32, #tpu.memory_space<vmem_shared>> -> memref<10000x128xf32, #tpu.memory_space<vmem_shared>>
        tpu.wait_indirect_dma semaphore(%run_scoped3A : memref<!tpu.dma_semaphore, #tpu.memory_space<semaphore_mem>>) src(%arg7 : memref<128x128xf32, #tpu.memory_space<vmem>>) dst(%dma_wait3A_87 : memref<10000x128xf32, #tpu.memory_space<vmem_shared>>)
        tpu.yield
      }) : () -> ()
      %add3A_76 = arith.constant 3 : i32
      %add3A_77 = arith.addi %add3A_59, %add3A_76 : i32
      %mul3A_78 = arith.constant 128 : i32
      %mul3A_79 = arith.muli %add3A_77, %mul3A_78 : i32
      %dma_start3A_80 = tpu.memref_slice %arg3[%mul3A_79] : memref<320000xi32, #tpu.memory_space<hbm>> -> memref<128xi32, #tpu.memory_space<hbm>>
      %dma_start3A_81 = tpu.memref_slice %arg3[%mul3A_79] : memref<320000xi32, #tpu.memory_space<hbm>> -> memref<128xi32, #tpu.memory_space<hbm>>
      tpu.enqueue_dma source(%dma_start3A_81 : memref<128xi32, #tpu.memory_space<hbm>>) target(%arg6 : memref<128xi32, #tpu.memory_space<vmem>>) target_semaphore(%arg9 : memref<!tpu.dma_semaphore, #tpu.memory_space<semaphore_mem>>)
    }
    %scan3A_25 = arith.constant 39 : i32
    %add3A_26 = arith.constant 78 : i32
    %add3A_27 = arith.addi %mul3A_2, %add3A_26 : i32
    %mul3A_28 = arith.constant 128 : i32
    %mul3A_29 = arith.muli %add3A_27, %mul3A_28 : i32
    %dma_wait3A = tpu.memref_slice %arg3[%mul3A_29] : memref<320000xi32, #tpu.memory_space<hbm>> -> memref<128xi32, #tpu.memory_space<hbm>>
    %dma_wait3A_30 = tpu.memref_slice %arg3[%mul3A_29] : memref<320000xi32, #tpu.memory_space<hbm>> -> memref<128xi32, #tpu.memory_space<hbm>>
    tpu.wait_dma2 semaphore(%arg8 : memref<!tpu.dma_semaphore, #tpu.memory_space<semaphore_mem>>) src(%dma_wait3A_30 : memref<128xi32, #tpu.memory_space<hbm>>) dst(%arg5 : memref<128xi32, #tpu.memory_space<vmem>>)
    %add3A_31 = arith.constant 78 : i32
    %add3A_32 = arith.addi %mul3A_2, %add3A_31 : i32
    %add3A_33 = arith.constant 1 : i32
    %add3A_34 = arith.addi %add3A_32, %add3A_33 : i32
    %mul3A_35 = arith.constant 128 : i32
    %mul3A_36 = arith.muli %add3A_34, %mul3A_35 : i32
    %dma_wait3A_37 = tpu.memref_slice %arg3[%mul3A_36] : memref<320000xi32, #tpu.memory_space<hbm>> -> memref<128xi32, #tpu.memory_space<hbm>>
    %dma_wait3A_38 = tpu.memref_slice %arg3[%mul3A_36] : memref<320000xi32, #tpu.memory_space<hbm>> -> memref<128xi32, #tpu.memory_space<hbm>>
    tpu.wait_dma2 semaphore(%arg9 : memref<!tpu.dma_semaphore, #tpu.memory_space<semaphore_mem>>) src(%dma_wait3A_38 : memref<128xi32, #tpu.memory_space<hbm>>) dst(%arg6 : memref<128xi32, #tpu.memory_space<vmem>>)
    %barrier3A_39 = arith.constant 0 : index
    tpu.barrier barrier_id(%barrier3A_39)
    %mul3A_40 = arith.constant 624 : i32
    %mul3A_41 = arith.muli %arg1, %mul3A_40 : i32
    %mul3A_42 = arith.constant 10000 : i32
    %mul3A_43 = arith.muli %arg0, %mul3A_42 : i32
    %mul3A_44 = arith.constant 624 : i32
    %mul3A_45 = arith.muli %arg1, %mul3A_44 : i32
    %add3A_46 = arith.addi %mul3A_43, %mul3A_45 : i32
    "tpu.region"() ({
      %run_scoped3A = tpu.sem_alloc : memref<!tpu.dma_semaphore, #tpu.memory_space<semaphore_mem>>
      %dma_start3A_52 = arith.constant 0 : i32
      %dma_start3A_53 = tpu.memref_slice %arg4[%add3A_46, %dma_start3A_52] : memref<20000x128xf32, #tpu.memory_space<hbm>> -> memref<624x128xf32, #tpu.memory_space<hbm>>
      %dma_start3A_54 = arith.constant 0 : i32
      %dma_start3A_55 = tpu.memref_slice %arg10[%mul3A_41, %dma_start3A_54] : memref<10000x128xf32, #tpu.memory_space<vmem_shared>> -> memref<624x128xf32, #tpu.memory_space<vmem_shared>>
      tpu.enqueue_dma source(%dma_start3A_55 : memref<624x128xf32, #tpu.memory_space<vmem_shared>>) target(%dma_start3A_53 : memref<624x128xf32, #tpu.memory_space<hbm>>) target_semaphore(%run_scoped3A : memref<!tpu.dma_semaphore, #tpu.memory_space<semaphore_mem>>)
      %dma_wait3A_56 = arith.constant 0 : i32
      %dma_wait3A_57 = tpu.memref_slice %arg4[%add3A_46, %dma_wait3A_56] : memref<20000x128xf32, #tpu.memory_space<hbm>> -> memref<624x128xf32, #tpu.memory_space<hbm>>
      %dma_wait3A_58 = arith.constant 0 : i32
      %dma_wait3A_59 = tpu.memref_slice %arg10[%mul3A_41, %dma_wait3A_58] : memref<10000x128xf32, #tpu.memory_space<vmem_shared>> -> memref<624x128xf32, #tpu.memory_space<vmem_shared>>
      tpu.wait_dma2 semaphore(%run_scoped3A : memref<!tpu.dma_semaphore, #tpu.memory_space<semaphore_mem>>) src(%dma_wait3A_59 : memref<624x128xf32, #tpu.memory_space<vmem_shared>>) dst(%dma_wait3A_57 : memref<624x128xf32, #tpu.memory_space<hbm>>)
      tpu.yield
    }) : () -> ()
    %eq3A_47 = arith.constant 15 : i32
    %eq3A_48 = arith.cmpi eq, %arg1, %eq3A_47 : i32
    %convert_element_type3A_49 = arith.extui %eq3A_48 : i1 to i32
    %cond3A_50 = arith.constant 0 : i32
    %cond3A_51 = arith.cmpi ne, %convert_element_type3A_49, %cond3A_50 : i32
    scf.if %cond3A_51 {
      %mul3A_52 = arith.constant 10000 : i32
      %mul3A_53 = arith.muli %arg0, %mul3A_52 : i32
      %add3A_54 = arith.constant 9984 : i32
      %add3A_55 = arith.addi %mul3A_53, %add3A_54 : i32
      "tpu.region"() ({
        %run_scoped3A = tpu.sem_alloc : memref<!tpu.dma_semaphore, #tpu.memory_space<semaphore_mem>>
        %dma_start3A_56 = arith.constant 0 : i32
        %dma_start3A_57 = tpu.memref_slice %arg4[%add3A_55, %dma_start3A_56] : memref<20000x128xf32, #tpu.memory_space<hbm>> -> memref<16x128xf32, #tpu.memory_space<hbm>>
        %dma_start3A_58 = arith.constant 9984 : i32
        %dma_start3A_59 = arith.constant 0 : i32
        %dma_start3A_60 = tpu.memref_slice %arg10[%dma_start3A_58, %dma_start3A_59] : memref<10000x128xf32, #tpu.memory_space<vmem_shared>> -> memref<16x128xf32, #tpu.memory_space<vmem_shared>>
        tpu.enqueue_dma source(%dma_start3A_60 : memref<16x128xf32, #tpu.memory_space<vmem_shared>>) target(%dma_start3A_57 : memref<16x128xf32, #tpu.memory_space<hbm>>) target_semaphore(%run_scoped3A : memref<!tpu.dma_semaphore, #tpu.memory_space<semaphore_mem>>)
        %dma_wait3A_61 = arith.constant 0 : i32
        %dma_wait3A_62 = tpu.memref_slice %arg4[%add3A_55, %dma_wait3A_61] : memref<20000x128xf32, #tpu.memory_space<hbm>> -> memref<16x128xf32, #tpu.memory_space<hbm>>
        %dma_wait3A_63 = arith.constant 9984 : i32
        %dma_wait3A_64 = arith.constant 0 : i32
        %dma_wait3A_65 = tpu.memref_slice %arg10[%dma_wait3A_63, %dma_wait3A_64] : memref<10000x128xf32, #tpu.memory_space<vmem_shared>> -> memref<16x128xf32, #tpu.memory_space<vmem_shared>>
        tpu.wait_dma2 semaphore(%run_scoped3A : memref<!tpu.dma_semaphore, #tpu.memory_space<semaphore_mem>>) src(%dma_wait3A_65 : memref<16x128xf32, #tpu.memory_space<vmem_shared>>) dst(%dma_wait3A_62 : memref<16x128xf32, #tpu.memory_space<hbm>>)
        tpu.yield
      }) : () -> ()
    } else {
    }
    return
  }
}

#map = affine_map<(d0, d1) -> (0, 0)>
#map1 = affine_map<(d0, d1) -> (0)>
module attributes {stable_mosaic.version = 14 : i64} {
  func.func @_sc_scatter(%arg0: i32, %arg1: i32, %arg2: memref<10000x128xf32, #tpu.memory_space<hbm>>, %arg3: memref<320000xi32, #tpu.memory_space<hbm>>, %arg4: memref<320000xi32, #tpu.memory_space<hbm>>, %arg5: memref<20000x128xf32, #tpu.memory_space<hbm>>, %arg6: memref<128xi32, #tpu.memory_space<vmem>>, %arg7: memref<128xi32, #tpu.memory_space<vmem>>, %arg8: memref<128xi32, #tpu.memory_space<vmem>>, %arg9: memref<128xi32, #tpu.memory_space<vmem>>, %arg10: memref<128x128xf32, #tpu.memory_space<vmem>>, %arg11: memref<128x128xf32, #tpu.memory_space<vmem>>, %arg12: memref<!tpu.dma_semaphore, #tpu.memory_space<semaphore_mem>>, %arg13: memref<!tpu.dma_semaphore, #tpu.memory_space<semaphore_mem>>, %arg14: memref<!tpu.dma_semaphore, #tpu.memory_space<semaphore_mem>>, %arg15: memref<!tpu.dma_semaphore, #tpu.memory_space<semaphore_mem>>, %arg16: memref<10000x128xf32, #tpu.memory_space<vmem_shared>>) attributes {dimension_semantics = [#tpu.dimension_semantics<core_parallel>, #tpu.dimension_semantics<subcore_parallel>], iteration_bounds = array<i64: 2, 16>, scalar_prefetch = 0 : i64, scratch_operands = 11 : i64, tpu.core_type = #tpu.core_type<sc_vector_subcore>, window_params = [{transform_indices = #map}, {transform_indices = #map1}, {transform_indices = #map1}, {transform_indices = #map}]} {
    %mul3A = arith.constant 16 : i32
    %mul3A_0 = arith.muli %arg0, %mul3A : i32
    %add3A = arith.addi %mul3A_0, %arg1 : i32
    %mul3A_1 = arith.constant 78 : i32
    %mul3A_2 = arith.muli %add3A, %mul3A_1 : i32
    %mul3A_3 = arith.constant 624 : i32
    %mul3A_4 = arith.muli %arg1, %mul3A_3 : i32
    %mul3A_5 = arith.constant 624 : i32
    %mul3A_6 = arith.muli %arg1, %mul3A_5 : i32
    "tpu.region"() ({
      %run_scoped3A = tpu.sem_alloc : memref<!tpu.dma_semaphore, #tpu.memory_space<semaphore_mem>>
      %dma_start3A_72 = arith.constant 0 : i32
      %dma_start3A_73 = tpu.memref_slice %arg16[%mul3A_6, %dma_start3A_72] : memref<10000x128xf32, #tpu.memory_space<vmem_shared>> -> memref<624x128xf32, #tpu.memory_space<vmem_shared>>
      %dma_start3A_74 = arith.constant 0 : i32
      %dma_start3A_75 = tpu.memref_slice %arg2[%mul3A_4, %dma_start3A_74] : memref<10000x128xf32, #tpu.memory_space<hbm>> -> memref<624x128xf32, #tpu.memory_space<hbm>>
      tpu.enqueue_dma source(%dma_start3A_75 : memref<624x128xf32, #tpu.memory_space<hbm>>) target(%dma_start3A_73 : memref<624x128xf32, #tpu.memory_space<vmem_shared>>) target_semaphore(%run_scoped3A : memref<!tpu.dma_semaphore, #tpu.memory_space<semaphore_mem>>)
      %dma_wait3A_76 = arith.constant 0 : i32
      %dma_wait3A_77 = tpu.memref_slice %arg16[%mul3A_6, %dma_wait3A_76] : memref<10000x128xf32, #tpu.memory_space<vmem_shared>> -> memref<624x128xf32, #tpu.memory_space<vmem_shared>>
      %dma_wait3A_78 = arith.constant 0 : i32
      %dma_wait3A_79 = tpu.memref_slice %arg2[%mul3A_4, %dma_wait3A_78] : memref<10000x128xf32, #tpu.memory_space<hbm>> -> memref<624x128xf32, #tpu.memory_space<hbm>>
      tpu.wait_dma2 semaphore(%run_scoped3A : memref<!tpu.dma_semaphore, #tpu.memory_space<semaphore_mem>>) src(%dma_wait3A_79 : memref<624x128xf32, #tpu.memory_space<hbm>>) dst(%dma_wait3A_77 : memref<624x128xf32, #tpu.memory_space<vmem_shared>>)
      tpu.yield
    }) : () -> ()
    %eq3A = arith.constant 15 : i32
    %eq3A_7 = arith.cmpi eq, %arg1, %eq3A : i32
    %convert_element_type3A = arith.extui %eq3A_7 : i1 to i32
    %cond3A = arith.constant 0 : i32
    %cond3A_8 = arith.cmpi ne, %convert_element_type3A, %cond3A : i32
    scf.if %cond3A_8 {
      "tpu.region"() ({
        %run_scoped3A = tpu.sem_alloc : memref<!tpu.dma_semaphore, #tpu.memory_space<semaphore_mem>>
        %dma_start3A_72 = arith.constant 9984 : i32
        %dma_start3A_73 = arith.constant 0 : i32
        %dma_start3A_74 = tpu.memref_slice %arg16[%dma_start3A_72, %dma_start3A_73] : memref<10000x128xf32, #tpu.memory_space<vmem_shared>> -> memref<16x128xf32, #tpu.memory_space<vmem_shared>>
        %dma_start3A_75 = arith.constant 9984 : i32
        %dma_start3A_76 = arith.constant 0 : i32
        %dma_start3A_77 = tpu.memref_slice %arg2[%dma_start3A_75, %dma_start3A_76] : memref<10000x128xf32, #tpu.memory_space<hbm>> -> memref<16x128xf32, #tpu.memory_space<hbm>>
        tpu.enqueue_dma source(%dma_start3A_77 : memref<16x128xf32, #tpu.memory_space<hbm>>) target(%dma_start3A_74 : memref<16x128xf32, #tpu.memory_space<vmem_shared>>) target_semaphore(%run_scoped3A : memref<!tpu.dma_semaphore, #tpu.memory_space<semaphore_mem>>)
        %dma_wait3A_78 = arith.constant 9984 : i32
        %dma_wait3A_79 = arith.constant 0 : i32
        %dma_wait3A_80 = tpu.memref_slice %arg16[%dma_wait3A_78, %dma_wait3A_79] : memref<10000x128xf32, #tpu.memory_space<vmem_shared>> -> memref<16x128xf32, #tpu.memory_space<vmem_shared>>
        %dma_wait3A_81 = arith.constant 9984 : i32
        %dma_wait3A_82 = arith.constant 0 : i32
        %dma_wait3A_83 = tpu.memref_slice %arg2[%dma_wait3A_81, %dma_wait3A_82] : memref<10000x128xf32, #tpu.memory_space<hbm>> -> memref<16x128xf32, #tpu.memory_space<hbm>>
        tpu.wait_dma2 semaphore(%run_scoped3A : memref<!tpu.dma_semaphore, #tpu.memory_space<semaphore_mem>>) src(%dma_wait3A_83 : memref<16x128xf32, #tpu.memory_space<hbm>>) dst(%dma_wait3A_80 : memref<16x128xf32, #tpu.memory_space<vmem_shared>>)
        tpu.yield
      }) : () -> ()
    } else {
    }
    %barrier3A = arith.constant 0 : index
    tpu.barrier barrier_id(%barrier3A)
    %lt3A = arith.constant 4 : i32
    %lt3A_9 = arith.cmpi slt, %add3A, %lt3A : i32
    %convert_element_type3A_10 = arith.extui %lt3A_9 : i1 to i32
    %cond3A_11 = arith.constant 0 : i32
    %cond3A_12 = arith.cmpi ne, %convert_element_type3A_10, %cond3A_11 : i32
    scf.if %cond3A_12 {
      %add3A_72 = arith.constant 2496 : i32
      %add3A_73 = arith.addi %add3A_72, %add3A : i32
      %mul3A_74 = arith.constant 128 : i32
      %mul3A_75 = arith.muli %add3A_73, %mul3A_74 : i32
      %dma_start3A_76 = tpu.memref_slice %arg3[%mul3A_75] : memref<320000xi32, #tpu.memory_space<hbm>> -> memref<128xi32, #tpu.memory_space<hbm>>
      %dma_start3A_77 = tpu.memref_slice %arg3[%mul3A_75] : memref<320000xi32, #tpu.memory_space<hbm>> -> memref<128xi32, #tpu.memory_space<hbm>>
      tpu.enqueue_dma source(%dma_start3A_77 : memref<128xi32, #tpu.memory_space<hbm>>) target(%arg6 : memref<128xi32, #tpu.memory_space<vmem>>) target_semaphore(%arg14 : memref<!tpu.dma_semaphore, #tpu.memory_space<semaphore_mem>>)
      %mul3A_78 = arith.constant 128 : i32
      %mul3A_79 = arith.muli %add3A_73, %mul3A_78 : i32
      %dma_start3A_80 = tpu.memref_slice %arg4[%mul3A_79] : memref<320000xi32, #tpu.memory_space<hbm>> -> memref<128xi32, #tpu.memory_space<hbm>>
      %dma_start3A_81 = tpu.memref_slice %arg4[%mul3A_79] : memref<320000xi32, #tpu.memory_space<hbm>> -> memref<128xi32, #tpu.memory_space<hbm>>
      tpu.enqueue_dma source(%dma_start3A_81 : memref<128xi32, #tpu.memory_space<hbm>>) target(%arg8 : memref<128xi32, #tpu.memory_space<vmem>>) target_semaphore(%arg14 : memref<!tpu.dma_semaphore, #tpu.memory_space<semaphore_mem>>)
      %mul3A_82 = arith.constant 128 : i32
      %mul3A_83 = arith.muli %add3A_73, %mul3A_82 : i32
      %dma_wait3A_84 = tpu.memref_slice %arg3[%mul3A_83] : memref<320000xi32, #tpu.memory_space<hbm>> -> memref<128xi32, #tpu.memory_space<hbm>>
      %dma_wait3A_85 = tpu.memref_slice %arg3[%mul3A_83] : memref<320000xi32, #tpu.memory_space<hbm>> -> memref<128xi32, #tpu.memory_space<hbm>>
      tpu.wait_dma2 semaphore(%arg14 : memref<!tpu.dma_semaphore, #tpu.memory_space<semaphore_mem>>) src(%dma_wait3A_85 : memref<128xi32, #tpu.memory_space<hbm>>) dst(%arg6 : memref<128xi32, #tpu.memory_space<vmem>>)
      %mul3A_86 = arith.constant 128 : i32
      %mul3A_87 = arith.muli %add3A_73, %mul3A_86 : i32
      %dma_wait3A_88 = tpu.memref_slice %arg4[%mul3A_87] : memref<320000xi32, #tpu.memory_space<hbm>> -> memref<128xi32, #tpu.memory_space<hbm>>
      %dma_wait3A_89 = tpu.memref_slice %arg4[%mul3A_87] : memref<320000xi32, #tpu.memory_space<hbm>> -> memref<128xi32, #tpu.memory_space<hbm>>
      tpu.wait_dma2 semaphore(%arg14 : memref<!tpu.dma_semaphore, #tpu.memory_space<semaphore_mem>>) src(%dma_wait3A_89 : memref<128xi32, #tpu.memory_space<hbm>>) dst(%arg8 : memref<128xi32, #tpu.memory_space<vmem>>)
      "tpu.region"() ({
        %run_scoped3A = tpu.sem_alloc : memref<!tpu.dma_semaphore, #tpu.memory_space<semaphore_mem>>
        %dma_start3A_90 = arith.constant 0 : i32
        %dma_start3A_91 = arith.constant 0 : i32
        %dma_start3A_92 = tpu.memref_slice %arg2[%dma_start3A_90, %dma_start3A_91] : memref<10000x128xf32, #tpu.memory_space<hbm>> -> memref<10000x128xf32, #tpu.memory_space<hbm>>
        tpu.enqueue_indirect_dma source(%dma_start3A_92 : memref<10000x128xf32, #tpu.memory_space<hbm>>) target(%arg10 : memref<128x128xf32, #tpu.memory_space<vmem>>) offsets(%arg6 : memref<128xi32, #tpu.memory_space<vmem>>) semaphore(%run_scoped3A : memref<!tpu.dma_semaphore, #tpu.memory_space<semaphore_mem>>)
        %dma_wait3A_93 = arith.constant 0 : i32
        %dma_wait3A_94 = arith.constant 0 : i32
        %dma_wait3A_95 = tpu.memref_slice %arg2[%dma_wait3A_93, %dma_wait3A_94] : memref<10000x128xf32, #tpu.memory_space<hbm>> -> memref<10000x128xf32, #tpu.memory_space<hbm>>
        tpu.wait_indirect_dma semaphore(%run_scoped3A : memref<!tpu.dma_semaphore, #tpu.memory_space<semaphore_mem>>) src(%dma_wait3A_95 : memref<10000x128xf32, #tpu.memory_space<hbm>>) dst(%arg10 : memref<128x128xf32, #tpu.memory_space<vmem>>)
        tpu.yield
      }) : () -> ()
      "tpu.region"() ({
        %run_scoped3A = tpu.sem_alloc : memref<!tpu.dma_semaphore, #tpu.memory_space<semaphore_mem>>
        %dma_start3A_90 = arith.constant 0 : i32
        %dma_start3A_91 = arith.constant 0 : i32
        %dma_start3A_92 = tpu.memref_slice %arg16[%dma_start3A_90, %dma_start3A_91] : memref<10000x128xf32, #tpu.memory_space<vmem_shared>> -> memref<10000x128xf32, #tpu.memory_space<vmem_shared>>
        tpu.enqueue_indirect_dma source(%arg10 : memref<128x128xf32, #tpu.memory_space<vmem>>) target(%dma_start3A_92 : memref<10000x128xf32, #tpu.memory_space<vmem_shared>>) offsets(%arg8 : memref<128xi32, #tpu.memory_space<vmem>>) semaphore(%run_scoped3A : memref<!tpu.dma_semaphore, #tpu.memory_space<semaphore_mem>>) {add = true}
        %dma_wait3A_93 = arith.constant 0 : i32
        %dma_wait3A_94 = arith.constant 0 : i32
        %dma_wait3A_95 = tpu.memref_slice %arg16[%dma_wait3A_93, %dma_wait3A_94] : memref<10000x128xf32, #tpu.memory_space<vmem_shared>> -> memref<10000x128xf32, #tpu.memory_space<vmem_shared>>
        tpu.wait_indirect_dma semaphore(%run_scoped3A : memref<!tpu.dma_semaphore, #tpu.memory_space<semaphore_mem>>) src(%arg10 : memref<128x128xf32, #tpu.memory_space<vmem>>) dst(%dma_wait3A_95 : memref<10000x128xf32, #tpu.memory_space<vmem_shared>>)
        tpu.yield
      }) : () -> ()
    } else {
    }
    %mul3A_13 = arith.constant 128 : i32
    %mul3A_14 = arith.muli %mul3A_2, %mul3A_13 : i32
    %dma_start3A = tpu.memref_slice %arg3[%mul3A_14] : memref<320000xi32, #tpu.memory_space<hbm>> -> memref<128xi32, #tpu.memory_space<hbm>>
    %dma_start3A_15 = tpu.memref_slice %arg3[%mul3A_14] : memref<320000xi32, #tpu.memory_space<hbm>> -> memref<128xi32, #tpu.memory_space<hbm>>
    tpu.enqueue_dma source(%dma_start3A_15 : memref<128xi32, #tpu.memory_space<hbm>>) target(%arg6 : memref<128xi32, #tpu.memory_space<vmem>>) target_semaphore(%arg14 : memref<!tpu.dma_semaphore, #tpu.memory_space<semaphore_mem>>)
    %mul3A_16 = arith.constant 128 : i32
    %mul3A_17 = arith.muli %mul3A_2, %mul3A_16 : i32
    %dma_start3A_18 = tpu.memref_slice %arg4[%mul3A_17] : memref<320000xi32, #tpu.memory_space<hbm>> -> memref<128xi32, #tpu.memory_space<hbm>>
    %dma_start3A_19 = tpu.memref_slice %arg4[%mul3A_17] : memref<320000xi32, #tpu.memory_space<hbm>> -> memref<128xi32, #tpu.memory_space<hbm>>
    tpu.enqueue_dma source(%dma_start3A_19 : memref<128xi32, #tpu.memory_space<hbm>>) target(%arg8 : memref<128xi32, #tpu.memory_space<vmem>>) target_semaphore(%arg14 : memref<!tpu.dma_semaphore, #tpu.memory_space<semaphore_mem>>)
    %mul3A_20 = arith.constant 128 : i32
    %mul3A_21 = arith.muli %mul3A_2, %mul3A_20 : i32
    %dma_wait3A = tpu.memref_slice %arg3[%mul3A_21] : memref<320000xi32, #tpu.memory_space<hbm>> -> memref<128xi32, #tpu.memory_space<hbm>>
    %dma_wait3A_22 = tpu.memref_slice %arg3[%mul3A_21] : memref<320000xi32, #tpu.memory_space<hbm>> -> memref<128xi32, #tpu.memory_space<hbm>>
    tpu.wait_dma2 semaphore(%arg14 : memref<!tpu.dma_semaphore, #tpu.memory_space<semaphore_mem>>) src(%dma_wait3A_22 : memref<128xi32, #tpu.memory_space<hbm>>) dst(%arg6 : memref<128xi32, #tpu.memory_space<vmem>>)
    %mul3A_23 = arith.constant 128 : i32
    %mul3A_24 = arith.muli %mul3A_2, %mul3A_23 : i32
    %dma_wait3A_25 = tpu.memref_slice %arg4[%mul3A_24] : memref<320000xi32, #tpu.memory_space<hbm>> -> memref<128xi32, #tpu.memory_space<hbm>>
    %dma_wait3A_26 = tpu.memref_slice %arg4[%mul3A_24] : memref<320000xi32, #tpu.memory_space<hbm>> -> memref<128xi32, #tpu.memory_space<hbm>>
    tpu.wait_dma2 semaphore(%arg14 : memref<!tpu.dma_semaphore, #tpu.memory_space<semaphore_mem>>) src(%dma_wait3A_26 : memref<128xi32, #tpu.memory_space<hbm>>) dst(%arg8 : memref<128xi32, #tpu.memory_space<vmem>>)
    %dma_start3A_27 = arith.constant 0 : i32
    %dma_start3A_28 = arith.constant 0 : i32
    %dma_start3A_29 = tpu.memref_slice %arg2[%dma_start3A_27, %dma_start3A_28] : memref<10000x128xf32, #tpu.memory_space<hbm>> -> memref<10000x128xf32, #tpu.memory_space<hbm>>
    tpu.enqueue_indirect_dma source(%dma_start3A_29 : memref<10000x128xf32, #tpu.memory_space<hbm>>) target(%arg10 : memref<128x128xf32, #tpu.memory_space<vmem>>) offsets(%arg6 : memref<128xi32, #tpu.memory_space<vmem>>) semaphore(%arg12 : memref<!tpu.dma_semaphore, #tpu.memory_space<semaphore_mem>>)
    %add3A_30 = arith.constant 1 : i32
    %add3A_31 = arith.addi %mul3A_2, %add3A_30 : i32
    %mul3A_32 = arith.constant 128 : i32
    %mul3A_33 = arith.muli %add3A_31, %mul3A_32 : i32
    %dma_start3A_34 = tpu.memref_slice %arg3[%mul3A_33] : memref<320000xi32, #tpu.memory_space<hbm>> -> memref<128xi32, #tpu.memory_space<hbm>>
    %dma_start3A_35 = tpu.memref_slice %arg3[%mul3A_33] : memref<320000xi32, #tpu.memory_space<hbm>> -> memref<128xi32, #tpu.memory_space<hbm>>
    tpu.enqueue_dma source(%dma_start3A_35 : memref<128xi32, #tpu.memory_space<hbm>>) target(%arg7 : memref<128xi32, #tpu.memory_space<vmem>>) target_semaphore(%arg15 : memref<!tpu.dma_semaphore, #tpu.memory_space<semaphore_mem>>)
    %mul3A_36 = arith.constant 128 : i32
    %mul3A_37 = arith.muli %add3A_31, %mul3A_36 : i32
    %dma_start3A_38 = tpu.memref_slice %arg4[%mul3A_37] : memref<320000xi32, #tpu.memory_space<hbm>> -> memref<128xi32, #tpu.memory_space<hbm>>
    %dma_start3A_39 = tpu.memref_slice %arg4[%mul3A_37] : memref<320000xi32, #tpu.memory_space<hbm>> -> memref<128xi32, #tpu.memory_space<hbm>>
    tpu.enqueue_dma source(%dma_start3A_39 : memref<128xi32, #tpu.memory_space<hbm>>) target(%arg9 : memref<128xi32, #tpu.memory_space<vmem>>) target_semaphore(%arg15 : memref<!tpu.dma_semaphore, #tpu.memory_space<semaphore_mem>>)
    %scan3A = arith.constant 0 : i32
    %scan3A_40 = arith.constant 39 : i32
    %scan3A_41 = arith.addi %scan3A, %scan3A_40 : i32
    %scan3A_42 = arith.constant 1 : i32
    scf.for %scan3A_72 = %scan3A to %scan3A_41 step %scan3A_42  : i32 {
      %mul3A_73 = arith.constant 1 : i32
      %mul3A_74 = arith.muli %scan3A_72, %mul3A_73 : i32
      %add3A_75 = arith.constant 0 : i32
      %add3A_76 = arith.addi %add3A_75, %mul3A_74 : i32
      %mul3A_77 = arith.constant 2 : i32
      %mul3A_78 = arith.muli %mul3A_77, %add3A_76 : i32
      %add3A_79 = arith.addi %mul3A_2, %mul3A_78 : i32
      %dma_wait3A_80 = arith.constant 0 : i32
      %dma_wait3A_81 = arith.constant 0 : i32
      %dma_wait3A_82 = tpu.memref_slice %arg2[%dma_wait3A_80, %dma_wait3A_81] : memref<10000x128xf32, #tpu.memory_space<hbm>> -> memref<10000x128xf32, #tpu.memory_space<hbm>>
      tpu.wait_indirect_dma semaphore(%arg12 : memref<!tpu.dma_semaphore, #tpu.memory_space<semaphore_mem>>) src(%dma_wait3A_82 : memref<10000x128xf32, #tpu.memory_space<hbm>>) dst(%arg10 : memref<128x128xf32, #tpu.memory_space<vmem>>)
      %add3A_83 = arith.constant 1 : i32
      %add3A_84 = arith.addi %add3A_79, %add3A_83 : i32
      %mul3A_85 = arith.constant 128 : i32
      %mul3A_86 = arith.muli %add3A_84, %mul3A_85 : i32
      %dma_wait3A_87 = tpu.memref_slice %arg3[%mul3A_86] : memref<320000xi32, #tpu.memory_space<hbm>> -> memref<128xi32, #tpu.memory_space<hbm>>
      %dma_wait3A_88 = tpu.memref_slice %arg3[%mul3A_86] : memref<320000xi32, #tpu.memory_space<hbm>> -> memref<128xi32, #tpu.memory_space<hbm>>
      tpu.wait_dma2 semaphore(%arg15 : memref<!tpu.dma_semaphore, #tpu.memory_space<semaphore_mem>>) src(%dma_wait3A_88 : memref<128xi32, #tpu.memory_space<hbm>>) dst(%arg7 : memref<128xi32, #tpu.memory_space<vmem>>)
      %mul3A_89 = arith.constant 128 : i32
      %mul3A_90 = arith.muli %add3A_84, %mul3A_89 : i32
      %dma_wait3A_91 = tpu.memref_slice %arg4[%mul3A_90] : memref<320000xi32, #tpu.memory_space<hbm>> -> memref<128xi32, #tpu.memory_space<hbm>>
      %dma_wait3A_92 = tpu.memref_slice %arg4[%mul3A_90] : memref<320000xi32, #tpu.memory_space<hbm>> -> memref<128xi32, #tpu.memory_space<hbm>>
      tpu.wait_dma2 semaphore(%arg15 : memref<!tpu.dma_semaphore, #tpu.memory_space<semaphore_mem>>) src(%dma_wait3A_92 : memref<128xi32, #tpu.memory_space<hbm>>) dst(%arg9 : memref<128xi32, #tpu.memory_space<vmem>>)
      %dma_start3A_93 = arith.constant 0 : i32
      %dma_start3A_94 = arith.constant 0 : i32
      %dma_start3A_95 = tpu.memref_slice %arg2[%dma_start3A_93, %dma_start3A_94] : memref<10000x128xf32, #tpu.memory_space<hbm>> -> memref<10000x128xf32, #tpu.memory_space<hbm>>
      tpu.enqueue_indirect_dma source(%dma_start3A_95 : memref<10000x128xf32, #tpu.memory_space<hbm>>) target(%arg11 : memref<128x128xf32, #tpu.memory_space<vmem>>) offsets(%arg7 : memref<128xi32, #tpu.memory_space<vmem>>) semaphore(%arg13 : memref<!tpu.dma_semaphore, #tpu.memory_space<semaphore_mem>>)
      "tpu.region"() ({
        %run_scoped3A = tpu.sem_alloc : memref<!tpu.dma_semaphore, #tpu.memory_space<semaphore_mem>>
        %dma_start3A_132 = arith.constant 0 : i32
        %dma_start3A_133 = arith.constant 0 : i32
        %dma_start3A_134 = tpu.memref_slice %arg16[%dma_start3A_132, %dma_start3A_133] : memref<10000x128xf32, #tpu.memory_space<vmem_shared>> -> memref<10000x128xf32, #tpu.memory_space<vmem_shared>>
        tpu.enqueue_indirect_dma source(%arg10 : memref<128x128xf32, #tpu.memory_space<vmem>>) target(%dma_start3A_134 : memref<10000x128xf32, #tpu.memory_space<vmem_shared>>) offsets(%arg8 : memref<128xi32, #tpu.memory_space<vmem>>) semaphore(%run_scoped3A : memref<!tpu.dma_semaphore, #tpu.memory_space<semaphore_mem>>) {add = true}
        %dma_wait3A_135 = arith.constant 0 : i32
        %dma_wait3A_136 = arith.constant 0 : i32
        %dma_wait3A_137 = tpu.memref_slice %arg16[%dma_wait3A_135, %dma_wait3A_136] : memref<10000x128xf32, #tpu.memory_space<vmem_shared>> -> memref<10000x128xf32, #tpu.memory_space<vmem_shared>>
        tpu.wait_indirect_dma semaphore(%run_scoped3A : memref<!tpu.dma_semaphore, #tpu.memory_space<semaphore_mem>>) src(%arg10 : memref<128x128xf32, #tpu.memory_space<vmem>>) dst(%dma_wait3A_137 : memref<10000x128xf32, #tpu.memory_space<vmem_shared>>)
        tpu.yield
      }) : () -> ()
      %add3A_96 = arith.constant 2 : i32
      %add3A_97 = arith.addi %add3A_79, %add3A_96 : i32
      %mul3A_98 = arith.constant 128 : i32
      %mul3A_99 = arith.muli %add3A_97, %mul3A_98 : i32
      %dma_start3A_100 = tpu.memref_slice %arg3[%mul3A_99] : memref<320000xi32, #tpu.memory_space<hbm>> -> memref<128xi32, #tpu.memory_space<hbm>>
      %dma_start3A_101 = tpu.memref_slice %arg3[%mul3A_99] : memref<320000xi32, #tpu.memory_space<hbm>> -> memref<128xi32, #tpu.memory_space<hbm>>
      tpu.enqueue_dma source(%dma_start3A_101 : memref<128xi32, #tpu.memory_space<hbm>>) target(%arg6 : memref<128xi32, #tpu.memory_space<vmem>>) target_semaphore(%arg14 : memref<!tpu.dma_semaphore, #tpu.memory_space<semaphore_mem>>)
      %mul3A_102 = arith.constant 128 : i32
      %mul3A_103 = arith.muli %add3A_97, %mul3A_102 : i32
      %dma_start3A_104 = tpu.memref_slice %arg4[%mul3A_103] : memref<320000xi32, #tpu.memory_space<hbm>> -> memref<128xi32, #tpu.memory_space<hbm>>
      %dma_start3A_105 = tpu.memref_slice %arg4[%mul3A_103] : memref<320000xi32, #tpu.memory_space<hbm>> -> memref<128xi32, #tpu.memory_space<hbm>>
      tpu.enqueue_dma source(%dma_start3A_105 : memref<128xi32, #tpu.memory_space<hbm>>) target(%arg8 : memref<128xi32, #tpu.memory_space<vmem>>) target_semaphore(%arg14 : memref<!tpu.dma_semaphore, #tpu.memory_space<semaphore_mem>>)
      %dma_wait3A_106 = arith.constant 0 : i32
      %dma_wait3A_107 = arith.constant 0 : i32
      %dma_wait3A_108 = tpu.memref_slice %arg2[%dma_wait3A_106, %dma_wait3A_107] : memref<10000x128xf32, #tpu.memory_space<hbm>> -> memref<10000x128xf32, #tpu.memory_space<hbm>>
      tpu.wait_indirect_dma semaphore(%arg13 : memref<!tpu.dma_semaphore, #tpu.memory_space<semaphore_mem>>) src(%dma_wait3A_108 : memref<10000x128xf32, #tpu.memory_space<hbm>>) dst(%arg11 : memref<128x128xf32, #tpu.memory_space<vmem>>)
      %add3A_109 = arith.constant 2 : i32
      %add3A_110 = arith.addi %add3A_79, %add3A_109 : i32
      %mul3A_111 = arith.constant 128 : i32
      %mul3A_112 = arith.muli %add3A_110, %mul3A_111 : i32
      %dma_wait3A_113 = tpu.memref_slice %arg3[%mul3A_112] : memref<320000xi32, #tpu.memory_space<hbm>> -> memref<128xi32, #tpu.memory_space<hbm>>
      %dma_wait3A_114 = tpu.memref_slice %arg3[%mul3A_112] : memref<320000xi32, #tpu.memory_space<hbm>> -> memref<128xi32, #tpu.memory_space<hbm>>
      tpu.wait_dma2 semaphore(%arg14 : memref<!tpu.dma_semaphore, #tpu.memory_space<semaphore_mem>>) src(%dma_wait3A_114 : memref<128xi32, #tpu.memory_space<hbm>>) dst(%arg6 : memref<128xi32, #tpu.memory_space<vmem>>)
      %mul3A_115 = arith.constant 128 : i32
      %mul3A_116 = arith.muli %add3A_110, %mul3A_115 : i32
      %dma_wait3A_117 = tpu.memref_slice %arg4[%mul3A_116] : memref<320000xi32, #tpu.memory_space<hbm>> -> memref<128xi32, #tpu.memory_space<hbm>>
      %dma_wait3A_118 = tpu.memref_slice %arg4[%mul3A_116] : memref<320000xi32, #tpu.memory_space<hbm>> -> memref<128xi32, #tpu.memory_space<hbm>>
      tpu.wait_dma2 semaphore(%arg14 : memref<!tpu.dma_semaphore, #tpu.memory_space<semaphore_mem>>) src(%dma_wait3A_118 : memref<128xi32, #tpu.memory_space<hbm>>) dst(%arg8 : memref<128xi32, #tpu.memory_space<vmem>>)
      %dma_start3A_119 = arith.constant 0 : i32
      %dma_start3A_120 = arith.constant 0 : i32
      %dma_start3A_121 = tpu.memref_slice %arg2[%dma_start3A_119, %dma_start3A_120] : memref<10000x128xf32, #tpu.memory_space<hbm>> -> memref<10000x128xf32, #tpu.memory_space<hbm>>
      tpu.enqueue_indirect_dma source(%dma_start3A_121 : memref<10000x128xf32, #tpu.memory_space<hbm>>) target(%arg10 : memref<128x128xf32, #tpu.memory_space<vmem>>) offsets(%arg6 : memref<128xi32, #tpu.memory_space<vmem>>) semaphore(%arg12 : memref<!tpu.dma_semaphore, #tpu.memory_space<semaphore_mem>>)
      "tpu.region"() ({
        %run_scoped3A = tpu.sem_alloc : memref<!tpu.dma_semaphore, #tpu.memory_space<semaphore_mem>>
        %dma_start3A_132 = arith.constant 0 : i32
        %dma_start3A_133 = arith.constant 0 : i32
        %dma_start3A_134 = tpu.memref_slice %arg16[%dma_start3A_132, %dma_start3A_133] : memref<10000x128xf32, #tpu.memory_space<vmem_shared>> -> memref<10000x128xf32, #tpu.memory_space<vmem_shared>>
        tpu.enqueue_indirect_dma source(%arg11 : memref<128x128xf32, #tpu.memory_space<vmem>>) target(%dma_start3A_134 : memref<10000x128xf32, #tpu.memory_space<vmem_shared>>) offsets(%arg9 : memref<128xi32, #tpu.memory_space<vmem>>) semaphore(%run_scoped3A : memref<!tpu.dma_semaphore, #tpu.memory_space<semaphore_mem>>) {add = true}
        %dma_wait3A_135 = arith.constant 0 : i32
        %dma_wait3A_136 = arith.constant 0 : i32
        %dma_wait3A_137 = tpu.memref_slice %arg16[%dma_wait3A_135, %dma_wait3A_136] : memref<10000x128xf32, #tpu.memory_space<vmem_shared>> -> memref<10000x128xf32, #tpu.memory_space<vmem_shared>>
        tpu.wait_indirect_dma semaphore(%run_scoped3A : memref<!tpu.dma_semaphore, #tpu.memory_space<semaphore_mem>>) src(%arg11 : memref<128x128xf32, #tpu.memory_space<vmem>>) dst(%dma_wait3A_137 : memref<10000x128xf32, #tpu.memory_space<vmem_shared>>)
        tpu.yield
      }) : () -> ()
      %add3A_122 = arith.constant 3 : i32
      %add3A_123 = arith.addi %add3A_79, %add3A_122 : i32
      %mul3A_124 = arith.constant 128 : i32
      %mul3A_125 = arith.muli %add3A_123, %mul3A_124 : i32
      %dma_start3A_126 = tpu.memref_slice %arg3[%mul3A_125] : memref<320000xi32, #tpu.memory_space<hbm>> -> memref<128xi32, #tpu.memory_space<hbm>>
      %dma_start3A_127 = tpu.memref_slice %arg3[%mul3A_125] : memref<320000xi32, #tpu.memory_space<hbm>> -> memref<128xi32, #tpu.memory_space<hbm>>
      tpu.enqueue_dma source(%dma_start3A_127 : memref<128xi32, #tpu.memory_space<hbm>>) target(%arg7 : memref<128xi32, #tpu.memory_space<vmem>>) target_semaphore(%arg15 : memref<!tpu.dma_semaphore, #tpu.memory_space<semaphore_mem>>)
      %mul3A_128 = arith.constant 128 : i32
      %mul3A_129 = arith.muli %add3A_123, %mul3A_128 : i32
      %dma_start3A_130 = tpu.memref_slice %arg4[%mul3A_129] : memref<320000xi32, #tpu.memory_space<hbm>> -> memref<128xi32, #tpu.memory_space<hbm>>
      %dma_start3A_131 = tpu.memref_slice %arg4[%mul3A_129] : memref<320000xi32, #tpu.memory_space<hbm>> -> memref<128xi32, #tpu.memory_space<hbm>>
      tpu.enqueue_dma source(%dma_start3A_131 : memref<128xi32, #tpu.memory_space<hbm>>) target(%arg9 : memref<128xi32, #tpu.memory_space<vmem>>) target_semaphore(%arg15 : memref<!tpu.dma_semaphore, #tpu.memory_space<semaphore_mem>>)
    }
    %scan3A_43 = arith.constant 39 : i32
    %dma_wait3A_44 = arith.constant 0 : i32
    %dma_wait3A_45 = arith.constant 0 : i32
    %dma_wait3A_46 = tpu.memref_slice %arg2[%dma_wait3A_44, %dma_wait3A_45] : memref<10000x128xf32, #tpu.memory_space<hbm>> -> memref<10000x128xf32, #tpu.memory_space<hbm>>
    tpu.wait_indirect_dma semaphore(%arg12 : memref<!tpu.dma_semaphore, #tpu.memory_space<semaphore_mem>>) src(%dma_wait3A_46 : memref<10000x128xf32, #tpu.memory_space<hbm>>) dst(%arg10 : memref<128x128xf32, #tpu.memory_space<vmem>>)
    %add3A_47 = arith.constant 78 : i32
    %add3A_48 = arith.addi %mul3A_2, %add3A_47 : i32
    %add3A_49 = arith.constant 1 : i32
    %add3A_50 = arith.addi %add3A_48, %add3A_49 : i32
    %mul3A_51 = arith.constant 128 : i32
    %mul3A_52 = arith.muli %add3A_50, %mul3A_51 : i32
    %dma_wait3A_53 = tpu.memref_slice %arg3[%mul3A_52] : memref<320000xi32, #tpu.memory_space<hbm>> -> memref<128xi32, #tpu.memory_space<hbm>>
    %dma_wait3A_54 = tpu.memref_slice %arg3[%mul3A_52] : memref<320000xi32, #tpu.memory_space<hbm>> -> memref<128xi32, #tpu.memory_space<hbm>>
    tpu.wait_dma2 semaphore(%arg15 : memref<!tpu.dma_semaphore, #tpu.memory_space<semaphore_mem>>) src(%dma_wait3A_54 : memref<128xi32, #tpu.memory_space<hbm>>) dst(%arg7 : memref<128xi32, #tpu.memory_space<vmem>>)
    %mul3A_55 = arith.constant 128 : i32
    %mul3A_56 = arith.muli %add3A_50, %mul3A_55 : i32
    %dma_wait3A_57 = tpu.memref_slice %arg4[%mul3A_56] : memref<320000xi32, #tpu.memory_space<hbm>> -> memref<128xi32, #tpu.memory_space<hbm>>
    %dma_wait3A_58 = tpu.memref_slice %arg4[%mul3A_56] : memref<320000xi32, #tpu.memory_space<hbm>> -> memref<128xi32, #tpu.memory_space<hbm>>
    tpu.wait_dma2 semaphore(%arg15 : memref<!tpu.dma_semaphore, #tpu.memory_space<semaphore_mem>>) src(%dma_wait3A_58 : memref<128xi32, #tpu.memory_space<hbm>>) dst(%arg9 : memref<128xi32, #tpu.memory_space<vmem>>)
    %barrier3A_59 = arith.constant 0 : index
    tpu.barrier barrier_id(%barrier3A_59)
    %mul3A_60 = arith.constant 624 : i32
    %mul3A_61 = arith.muli %arg1, %mul3A_60 : i32
    %mul3A_62 = arith.constant 10000 : i32
    %mul3A_63 = arith.muli %arg0, %mul3A_62 : i32
    %mul3A_64 = arith.constant 624 : i32
    %mul3A_65 = arith.muli %arg1, %mul3A_64 : i32
    %add3A_66 = arith.addi %mul3A_63, %mul3A_65 : i32
    "tpu.region"() ({
      %run_scoped3A = tpu.sem_alloc : memref<!tpu.dma_semaphore, #tpu.memory_space<semaphore_mem>>
      %dma_start3A_72 = arith.constant 0 : i32
      %dma_start3A_73 = tpu.memref_slice %arg5[%add3A_66, %dma_start3A_72] : memref<20000x128xf32, #tpu.memory_space<hbm>> -> memref<624x128xf32, #tpu.memory_space<hbm>>
      %dma_start3A_74 = arith.constant 0 : i32
      %dma_start3A_75 = tpu.memref_slice %arg16[%mul3A_61, %dma_start3A_74] : memref<10000x128xf32, #tpu.memory_space<vmem_shared>> -> memref<624x128xf32, #tpu.memory_space<vmem_shared>>
      tpu.enqueue_dma source(%dma_start3A_75 : memref<624x128xf32, #tpu.memory_space<vmem_shared>>) target(%dma_start3A_73 : memref<624x128xf32, #tpu.memory_space<hbm>>) target_semaphore(%run_scoped3A : memref<!tpu.dma_semaphore, #tpu.memory_space<semaphore_mem>>)
      %dma_wait3A_76 = arith.constant 0 : i32
      %dma_wait3A_77 = tpu.memref_slice %arg5[%add3A_66, %dma_wait3A_76] : memref<20000x128xf32, #tpu.memory_space<hbm>> -> memref<624x128xf32, #tpu.memory_space<hbm>>
      %dma_wait3A_78 = arith.constant 0 : i32
      %dma_wait3A_79 = tpu.memref_slice %arg16[%mul3A_61, %dma_wait3A_78] : memref<10000x128xf32, #tpu.memory_space<vmem_shared>> -> memref<624x128xf32, #tpu.memory_space<vmem_shared>>
      tpu.wait_dma2 semaphore(%run_scoped3A : memref<!tpu.dma_semaphore, #tpu.memory_space<semaphore_mem>>) src(%dma_wait3A_79 : memref<624x128xf32, #tpu.memory_space<vmem_shared>>) dst(%dma_wait3A_77 : memref<624x128xf32, #tpu.memory_space<hbm>>)
      tpu.yield
    }) : () -> ()
    %eq3A_67 = arith.constant 15 : i32
    %eq3A_68 = arith.cmpi eq, %arg1, %eq3A_67 : i32
    %convert_element_type3A_69 = arith.extui %eq3A_68 : i1 to i32
    %cond3A_70 = arith.constant 0 : i32
    %cond3A_71 = arith.cmpi ne, %convert_element_type3A_69, %cond3A_70 : i32
    scf.if %cond3A_71 {
      %mul3A_72 = arith.constant 10000 : i32
      %mul3A_73 = arith.muli %arg0, %mul3A_72 : i32
      %add3A_74 = arith.constant 9984 : i32
      %add3A_75 = arith.addi %mul3A_73, %add3A_74 : i32
      "tpu.region"() ({
        %run_scoped3A = tpu.sem_alloc : memref<!tpu.dma_semaphore, #tpu.memory_space<semaphore_mem>>
        %dma_start3A_76 = arith.constant 0 : i32
        %dma_start3A_77 = tpu.memref_slice %arg5[%add3A_75, %dma_start3A_76] : memref<20000x128xf32, #tpu.memory_space<hbm>> -> memref<16x128xf32, #tpu.memory_space<hbm>>
        %dma_start3A_78 = arith.constant 9984 : i32
        %dma_start3A_79 = arith.constant 0 : i32
        %dma_start3A_80 = tpu.memref_slice %arg16[%dma_start3A_78, %dma_start3A_79] : memref<10000x128xf32, #tpu.memory_space<vmem_shared>> -> memref<16x128xf32, #tpu.memory_space<vmem_shared>>
        tpu.enqueue_dma source(%dma_start3A_80 : memref<16x128xf32, #tpu.memory_space<vmem_shared>>) target(%dma_start3A_77 : memref<16x128xf32, #tpu.memory_space<hbm>>) target_semaphore(%run_scoped3A : memref<!tpu.dma_semaphore, #tpu.memory_space<semaphore_mem>>)
        %dma_wait3A_81 = arith.constant 0 : i32
        %dma_wait3A_82 = tpu.memref_slice %arg5[%add3A_75, %dma_wait3A_81] : memref<20000x128xf32, #tpu.memory_space<hbm>> -> memref<16x128xf32, #tpu.memory_space<hbm>>
        %dma_wait3A_83 = arith.constant 9984 : i32
        %dma_wait3A_84 = arith.constant 0 : i32
        %dma_wait3A_85 = tpu.memref_slice %arg16[%dma_wait3A_83, %dma_wait3A_84] : memref<10000x128xf32, #tpu.memory_space<vmem_shared>> -> memref<16x128xf32, #tpu.memory_space<vmem_shared>>
        tpu.wait_dma2 semaphore(%run_scoped3A : memref<!tpu.dma_semaphore, #tpu.memory_space<semaphore_mem>>) src(%dma_wait3A_85 : memref<16x128xf32, #tpu.memory_space<vmem_shared>>) dst(%dma_wait3A_82 : memref<16x128xf32, #tpu.memory_space<hbm>>)
        tpu.yield
      }) : () -> ()
    } else {
    }
    return
  }
}

#map = affine_map<(d0, d1) -> (0, 0)>
#map1 = affine_map<(d0, d1) -> (0)>
module attributes {stable_mosaic.version = 14 : i64} {
  func.func @_sc_scatter(%arg0: i32, %arg1: i32, %arg2: memref<10000x128xf32, #tpu.memory_space<hbm>>, %arg3: memref<320000xi32, #tpu.memory_space<hbm>>, %arg4: memref<320000xi32, #tpu.memory_space<hbm>>, %arg5: memref<20000x128xf32, #tpu.memory_space<hbm>>, %arg6: memref<128xi32, #tpu.memory_space<vmem>>, %arg7: memref<128xi32, #tpu.memory_space<vmem>>, %arg8: memref<128xi32, #tpu.memory_space<vmem>>, %arg9: memref<128xi32, #tpu.memory_space<vmem>>, %arg10: memref<128x128xf32, #tpu.memory_space<vmem>>, %arg11: memref<128x128xf32, #tpu.memory_space<vmem>>, %arg12: memref<!tpu.dma_semaphore, #tpu.memory_space<semaphore_mem>>, %arg13: memref<!tpu.dma_semaphore, #tpu.memory_space<semaphore_mem>>, %arg14: memref<!tpu.dma_semaphore, #tpu.memory_space<semaphore_mem>>, %arg15: memref<!tpu.dma_semaphore, #tpu.memory_space<semaphore_mem>>, %arg16: memref<10000x128xf32, #tpu.memory_space<vmem_shared>>) attributes {dimension_semantics = [#tpu.dimension_semantics<core_parallel>, #tpu.dimension_semantics<subcore_parallel>], iteration_bounds = array<i64: 2, 16>, scalar_prefetch = 0 : i64, scratch_operands = 11 : i64, tpu.core_type = #tpu.core_type<sc_vector_subcore>, window_params = [{transform_indices = #map}, {transform_indices = #map1}, {transform_indices = #map1}, {transform_indices = #map}]} {
    %mul3A = arith.constant 16 : i32
    %mul3A_0 = arith.muli %arg0, %mul3A : i32
    %add3A = arith.addi %mul3A_0, %arg1 : i32
    %mul3A_1 = arith.constant 78 : i32
    %mul3A_2 = arith.muli %add3A, %mul3A_1 : i32
    %mul3A_3 = arith.constant 624 : i32
    %mul3A_4 = arith.muli %arg1, %mul3A_3 : i32
    %mul3A_5 = arith.constant 624 : i32
    %mul3A_6 = arith.muli %arg1, %mul3A_5 : i32
    "tpu.region"() ({
      %run_scoped3A = tpu.sem_alloc : memref<!tpu.dma_semaphore, #tpu.memory_space<semaphore_mem>>
      %dma_start3A_72 = arith.constant 0 : i32
      %dma_start3A_73 = tpu.memref_slice %arg16[%mul3A_6, %dma_start3A_72] : memref<10000x128xf32, #tpu.memory_space<vmem_shared>> -> memref<624x128xf32, #tpu.memory_space<vmem_shared>>
      %dma_start3A_74 = arith.constant 0 : i32
      %dma_start3A_75 = tpu.memref_slice %arg2[%mul3A_4, %dma_start3A_74] : memref<10000x128xf32, #tpu.memory_space<hbm>> -> memref<624x128xf32, #tpu.memory_space<hbm>>
      tpu.enqueue_dma source(%dma_start3A_75 : memref<624x128xf32, #tpu.memory_space<hbm>>) target(%dma_start3A_73 : memref<624x128xf32, #tpu.memory_space<vmem_shared>>) target_semaphore(%run_scoped3A : memref<!tpu.dma_semaphore, #tpu.memory_space<semaphore_mem>>)
      %dma_wait3A_76 = arith.constant 0 : i32
      %dma_wait3A_77 = tpu.memref_slice %arg16[%mul3A_6, %dma_wait3A_76] : memref<10000x128xf32, #tpu.memory_space<vmem_shared>> -> memref<624x128xf32, #tpu.memory_space<vmem_shared>>
      %dma_wait3A_78 = arith.constant 0 : i32
      %dma_wait3A_79 = tpu.memref_slice %arg2[%mul3A_4, %dma_wait3A_78] : memref<10000x128xf32, #tpu.memory_space<hbm>> -> memref<624x128xf32, #tpu.memory_space<hbm>>
      tpu.wait_dma2 semaphore(%run_scoped3A : memref<!tpu.dma_semaphore, #tpu.memory_space<semaphore_mem>>) src(%dma_wait3A_79 : memref<624x128xf32, #tpu.memory_space<hbm>>) dst(%dma_wait3A_77 : memref<624x128xf32, #tpu.memory_space<vmem_shared>>)
      tpu.yield
    }) : () -> ()
    %eq3A = arith.constant 15 : i32
    %eq3A_7 = arith.cmpi eq, %arg1, %eq3A : i32
    %convert_element_type3A = arith.extui %eq3A_7 : i1 to i32
    %cond3A = arith.constant 0 : i32
    %cond3A_8 = arith.cmpi ne, %convert_element_type3A, %cond3A : i32
    scf.if %cond3A_8 {
      "tpu.region"() ({
        %run_scoped3A = tpu.sem_alloc : memref<!tpu.dma_semaphore, #tpu.memory_space<semaphore_mem>>
        %dma_start3A_72 = arith.constant 9984 : i32
        %dma_start3A_73 = arith.constant 0 : i32
        %dma_start3A_74 = tpu.memref_slice %arg16[%dma_start3A_72, %dma_start3A_73] : memref<10000x128xf32, #tpu.memory_space<vmem_shared>> -> memref<16x128xf32, #tpu.memory_space<vmem_shared>>
        %dma_start3A_75 = arith.constant 9984 : i32
        %dma_start3A_76 = arith.constant 0 : i32
        %dma_start3A_77 = tpu.memref_slice %arg2[%dma_start3A_75, %dma_start3A_76] : memref<10000x128xf32, #tpu.memory_space<hbm>> -> memref<16x128xf32, #tpu.memory_space<hbm>>
        tpu.enqueue_dma source(%dma_start3A_77 : memref<16x128xf32, #tpu.memory_space<hbm>>) target(%dma_start3A_74 : memref<16x128xf32, #tpu.memory_space<vmem_shared>>) target_semaphore(%run_scoped3A : memref<!tpu.dma_semaphore, #tpu.memory_space<semaphore_mem>>)
        %dma_wait3A_78 = arith.constant 9984 : i32
        %dma_wait3A_79 = arith.constant 0 : i32
        %dma_wait3A_80 = tpu.memref_slice %arg16[%dma_wait3A_78, %dma_wait3A_79] : memref<10000x128xf32, #tpu.memory_space<vmem_shared>> -> memref<16x128xf32, #tpu.memory_space<vmem_shared>>
        %dma_wait3A_81 = arith.constant 9984 : i32
        %dma_wait3A_82 = arith.constant 0 : i32
        %dma_wait3A_83 = tpu.memref_slice %arg2[%dma_wait3A_81, %dma_wait3A_82] : memref<10000x128xf32, #tpu.memory_space<hbm>> -> memref<16x128xf32, #tpu.memory_space<hbm>>
        tpu.wait_dma2 semaphore(%run_scoped3A : memref<!tpu.dma_semaphore, #tpu.memory_space<semaphore_mem>>) src(%dma_wait3A_83 : memref<16x128xf32, #tpu.memory_space<hbm>>) dst(%dma_wait3A_80 : memref<16x128xf32, #tpu.memory_space<vmem_shared>>)
        tpu.yield
      }) : () -> ()
    } else {
    }
    %barrier3A = arith.constant 0 : index
    tpu.barrier barrier_id(%barrier3A)
    %lt3A = arith.constant 4 : i32
    %lt3A_9 = arith.cmpi slt, %add3A, %lt3A : i32
    %convert_element_type3A_10 = arith.extui %lt3A_9 : i1 to i32
    %cond3A_11 = arith.constant 0 : i32
    %cond3A_12 = arith.cmpi ne, %convert_element_type3A_10, %cond3A_11 : i32
    scf.if %cond3A_12 {
      %add3A_72 = arith.constant 2496 : i32
      %add3A_73 = arith.addi %add3A_72, %add3A : i32
      %mul3A_74 = arith.constant 128 : i32
      %mul3A_75 = arith.muli %add3A_73, %mul3A_74 : i32
      %dma_start3A_76 = tpu.memref_slice %arg3[%mul3A_75] : memref<320000xi32, #tpu.memory_space<hbm>> -> memref<128xi32, #tpu.memory_space<hbm>>
      %dma_start3A_77 = tpu.memref_slice %arg3[%mul3A_75] : memref<320000xi32, #tpu.memory_space<hbm>> -> memref<128xi32, #tpu.memory_space<hbm>>
      tpu.enqueue_dma source(%dma_start3A_77 : memref<128xi32, #tpu.memory_space<hbm>>) target(%arg6 : memref<128xi32, #tpu.memory_space<vmem>>) target_semaphore(%arg14 : memref<!tpu.dma_semaphore, #tpu.memory_space<semaphore_mem>>)
      %mul3A_78 = arith.constant 128 : i32
      %mul3A_79 = arith.muli %add3A_73, %mul3A_78 : i32
      %dma_start3A_80 = tpu.memref_slice %arg4[%mul3A_79] : memref<320000xi32, #tpu.memory_space<hbm>> -> memref<128xi32, #tpu.memory_space<hbm>>
      %dma_start3A_81 = tpu.memref_slice %arg4[%mul3A_79] : memref<320000xi32, #tpu.memory_space<hbm>> -> memref<128xi32, #tpu.memory_space<hbm>>
      tpu.enqueue_dma source(%dma_start3A_81 : memref<128xi32, #tpu.memory_space<hbm>>) target(%arg8 : memref<128xi32, #tpu.memory_space<vmem>>) target_semaphore(%arg14 : memref<!tpu.dma_semaphore, #tpu.memory_space<semaphore_mem>>)
      %mul3A_82 = arith.constant 128 : i32
      %mul3A_83 = arith.muli %add3A_73, %mul3A_82 : i32
      %dma_wait3A_84 = tpu.memref_slice %arg3[%mul3A_83] : memref<320000xi32, #tpu.memory_space<hbm>> -> memref<128xi32, #tpu.memory_space<hbm>>
      %dma_wait3A_85 = tpu.memref_slice %arg3[%mul3A_83] : memref<320000xi32, #tpu.memory_space<hbm>> -> memref<128xi32, #tpu.memory_space<hbm>>
      tpu.wait_dma2 semaphore(%arg14 : memref<!tpu.dma_semaphore, #tpu.memory_space<semaphore_mem>>) src(%dma_wait3A_85 : memref<128xi32, #tpu.memory_space<hbm>>) dst(%arg6 : memref<128xi32, #tpu.memory_space<vmem>>)
      %mul3A_86 = arith.constant 128 : i32
      %mul3A_87 = arith.muli %add3A_73, %mul3A_86 : i32
      %dma_wait3A_88 = tpu.memref_slice %arg4[%mul3A_87] : memref<320000xi32, #tpu.memory_space<hbm>> -> memref<128xi32, #tpu.memory_space<hbm>>
      %dma_wait3A_89 = tpu.memref_slice %arg4[%mul3A_87] : memref<320000xi32, #tpu.memory_space<hbm>> -> memref<128xi32, #tpu.memory_space<hbm>>
      tpu.wait_dma2 semaphore(%arg14 : memref<!tpu.dma_semaphore, #tpu.memory_space<semaphore_mem>>) src(%dma_wait3A_89 : memref<128xi32, #tpu.memory_space<hbm>>) dst(%arg8 : memref<128xi32, #tpu.memory_space<vmem>>)
      "tpu.region"() ({
        %run_scoped3A = tpu.sem_alloc : memref<!tpu.dma_semaphore, #tpu.memory_space<semaphore_mem>>
        %dma_start3A_90 = arith.constant 0 : i32
        %dma_start3A_91 = arith.constant 0 : i32
        %dma_start3A_92 = tpu.memref_slice %arg2[%dma_start3A_90, %dma_start3A_91] : memref<10000x128xf32, #tpu.memory_space<hbm>> -> memref<10000x128xf32, #tpu.memory_space<hbm>>
        tpu.enqueue_indirect_dma source(%dma_start3A_92 : memref<10000x128xf32, #tpu.memory_space<hbm>>) target(%arg10 : memref<128x128xf32, #tpu.memory_space<vmem>>) offsets(%arg6 : memref<128xi32, #tpu.memory_space<vmem>>) semaphore(%run_scoped3A : memref<!tpu.dma_semaphore, #tpu.memory_space<semaphore_mem>>)
        %dma_wait3A_93 = arith.constant 0 : i32
        %dma_wait3A_94 = arith.constant 0 : i32
        %dma_wait3A_95 = tpu.memref_slice %arg2[%dma_wait3A_93, %dma_wait3A_94] : memref<10000x128xf32, #tpu.memory_space<hbm>> -> memref<10000x128xf32, #tpu.memory_space<hbm>>
        tpu.wait_indirect_dma semaphore(%run_scoped3A : memref<!tpu.dma_semaphore, #tpu.memory_space<semaphore_mem>>) src(%dma_wait3A_95 : memref<10000x128xf32, #tpu.memory_space<hbm>>) dst(%arg10 : memref<128x128xf32, #tpu.memory_space<vmem>>)
        tpu.yield
      }) : () -> ()
      "tpu.region"() ({
        %run_scoped3A = tpu.sem_alloc : memref<!tpu.dma_semaphore, #tpu.memory_space<semaphore_mem>>
        %dma_start3A_90 = arith.constant 0 : i32
        %dma_start3A_91 = arith.constant 0 : i32
        %dma_start3A_92 = tpu.memref_slice %arg16[%dma_start3A_90, %dma_start3A_91] : memref<10000x128xf32, #tpu.memory_space<vmem_shared>> -> memref<10000x128xf32, #tpu.memory_space<vmem_shared>>
        tpu.enqueue_indirect_dma source(%arg10 : memref<128x128xf32, #tpu.memory_space<vmem>>) target(%dma_start3A_92 : memref<10000x128xf32, #tpu.memory_space<vmem_shared>>) offsets(%arg8 : memref<128xi32, #tpu.memory_space<vmem>>) semaphore(%run_scoped3A : memref<!tpu.dma_semaphore, #tpu.memory_space<semaphore_mem>>) {add = true}
        %dma_wait3A_93 = arith.constant 0 : i32
        %dma_wait3A_94 = arith.constant 0 : i32
        %dma_wait3A_95 = tpu.memref_slice %arg16[%dma_wait3A_93, %dma_wait3A_94] : memref<10000x128xf32, #tpu.memory_space<vmem_shared>> -> memref<10000x128xf32, #tpu.memory_space<vmem_shared>>
        tpu.wait_indirect_dma semaphore(%run_scoped3A : memref<!tpu.dma_semaphore, #tpu.memory_space<semaphore_mem>>) src(%arg10 : memref<128x128xf32, #tpu.memory_space<vmem>>) dst(%dma_wait3A_95 : memref<10000x128xf32, #tpu.memory_space<vmem_shared>>)
        tpu.yield
      }) : () -> ()
    } else {
    }
    %mul3A_13 = arith.constant 128 : i32
    %mul3A_14 = arith.muli %mul3A_2, %mul3A_13 : i32
    %dma_start3A = tpu.memref_slice %arg3[%mul3A_14] : memref<320000xi32, #tpu.memory_space<hbm>> -> memref<128xi32, #tpu.memory_space<hbm>>
    %dma_start3A_15 = tpu.memref_slice %arg3[%mul3A_14] : memref<320000xi32, #tpu.memory_space<hbm>> -> memref<128xi32, #tpu.memory_space<hbm>>
    tpu.enqueue_dma source(%dma_start3A_15 : memref<128xi32, #tpu.memory_space<hbm>>) target(%arg6 : memref<128xi32, #tpu.memory_space<vmem>>) target_semaphore(%arg14 : memref<!tpu.dma_semaphore, #tpu.memory_space<semaphore_mem>>)
    %mul3A_16 = arith.constant 128 : i32
    %mul3A_17 = arith.muli %mul3A_2, %mul3A_16 : i32
    %dma_start3A_18 = tpu.memref_slice %arg4[%mul3A_17] : memref<320000xi32, #tpu.memory_space<hbm>> -> memref<128xi32, #tpu.memory_space<hbm>>
    %dma_start3A_19 = tpu.memref_slice %arg4[%mul3A_17] : memref<320000xi32, #tpu.memory_space<hbm>> -> memref<128xi32, #tpu.memory_space<hbm>>
    tpu.enqueue_dma source(%dma_start3A_19 : memref<128xi32, #tpu.memory_space<hbm>>) target(%arg8 : memref<128xi32, #tpu.memory_space<vmem>>) target_semaphore(%arg14 : memref<!tpu.dma_semaphore, #tpu.memory_space<semaphore_mem>>)
    %mul3A_20 = arith.constant 128 : i32
    %mul3A_21 = arith.muli %mul3A_2, %mul3A_20 : i32
    %dma_wait3A = tpu.memref_slice %arg3[%mul3A_21] : memref<320000xi32, #tpu.memory_space<hbm>> -> memref<128xi32, #tpu.memory_space<hbm>>
    %dma_wait3A_22 = tpu.memref_slice %arg3[%mul3A_21] : memref<320000xi32, #tpu.memory_space<hbm>> -> memref<128xi32, #tpu.memory_space<hbm>>
    tpu.wait_dma2 semaphore(%arg14 : memref<!tpu.dma_semaphore, #tpu.memory_space<semaphore_mem>>) src(%dma_wait3A_22 : memref<128xi32, #tpu.memory_space<hbm>>) dst(%arg6 : memref<128xi32, #tpu.memory_space<vmem>>)
    %mul3A_23 = arith.constant 128 : i32
    %mul3A_24 = arith.muli %mul3A_2, %mul3A_23 : i32
    %dma_wait3A_25 = tpu.memref_slice %arg4[%mul3A_24] : memref<320000xi32, #tpu.memory_space<hbm>> -> memref<128xi32, #tpu.memory_space<hbm>>
    %dma_wait3A_26 = tpu.memref_slice %arg4[%mul3A_24] : memref<320000xi32, #tpu.memory_space<hbm>> -> memref<128xi32, #tpu.memory_space<hbm>>
    tpu.wait_dma2 semaphore(%arg14 : memref<!tpu.dma_semaphore, #tpu.memory_space<semaphore_mem>>) src(%dma_wait3A_26 : memref<128xi32, #tpu.memory_space<hbm>>) dst(%arg8 : memref<128xi32, #tpu.memory_space<vmem>>)
    %dma_start3A_27 = arith.constant 0 : i32
    %dma_start3A_28 = arith.constant 0 : i32
    %dma_start3A_29 = tpu.memref_slice %arg2[%dma_start3A_27, %dma_start3A_28] : memref<10000x128xf32, #tpu.memory_space<hbm>> -> memref<10000x128xf32, #tpu.memory_space<hbm>>
    tpu.enqueue_indirect_dma source(%dma_start3A_29 : memref<10000x128xf32, #tpu.memory_space<hbm>>) target(%arg10 : memref<128x128xf32, #tpu.memory_space<vmem>>) offsets(%arg6 : memref<128xi32, #tpu.memory_space<vmem>>) semaphore(%arg12 : memref<!tpu.dma_semaphore, #tpu.memory_space<semaphore_mem>>)
    %add3A_30 = arith.constant 1 : i32
    %add3A_31 = arith.addi %mul3A_2, %add3A_30 : i32
    %mul3A_32 = arith.constant 128 : i32
    %mul3A_33 = arith.muli %add3A_31, %mul3A_32 : i32
    %dma_start3A_34 = tpu.memref_slice %arg3[%mul3A_33] : memref<320000xi32, #tpu.memory_space<hbm>> -> memref<128xi32, #tpu.memory_space<hbm>>
    %dma_start3A_35 = tpu.memref_slice %arg3[%mul3A_33] : memref<320000xi32, #tpu.memory_space<hbm>> -> memref<128xi32, #tpu.memory_space<hbm>>
    tpu.enqueue_dma source(%dma_start3A_35 : memref<128xi32, #tpu.memory_space<hbm>>) target(%arg7 : memref<128xi32, #tpu.memory_space<vmem>>) target_semaphore(%arg15 : memref<!tpu.dma_semaphore, #tpu.memory_space<semaphore_mem>>)
    %mul3A_36 = arith.constant 128 : i32
    %mul3A_37 = arith.muli %add3A_31, %mul3A_36 : i32
    %dma_start3A_38 = tpu.memref_slice %arg4[%mul3A_37] : memref<320000xi32, #tpu.memory_space<hbm>> -> memref<128xi32, #tpu.memory_space<hbm>>
    %dma_start3A_39 = tpu.memref_slice %arg4[%mul3A_37] : memref<320000xi32, #tpu.memory_space<hbm>> -> memref<128xi32, #tpu.memory_space<hbm>>
    tpu.enqueue_dma source(%dma_start3A_39 : memref<128xi32, #tpu.memory_space<hbm>>) target(%arg9 : memref<128xi32, #tpu.memory_space<vmem>>) target_semaphore(%arg15 : memref<!tpu.dma_semaphore, #tpu.memory_space<semaphore_mem>>)
    %scan3A = arith.constant 0 : i32
    %scan3A_40 = arith.constant 39 : i32
    %scan3A_41 = arith.addi %scan3A, %scan3A_40 : i32
    %scan3A_42 = arith.constant 1 : i32
    scf.for %scan3A_72 = %scan3A to %scan3A_41 step %scan3A_42  : i32 {
      %mul3A_73 = arith.constant 1 : i32
      %mul3A_74 = arith.muli %scan3A_72, %mul3A_73 : i32
      %add3A_75 = arith.constant 0 : i32
      %add3A_76 = arith.addi %add3A_75, %mul3A_74 : i32
      %mul3A_77 = arith.constant 2 : i32
      %mul3A_78 = arith.muli %mul3A_77, %add3A_76 : i32
      %add3A_79 = arith.addi %mul3A_2, %mul3A_78 : i32
      %dma_wait3A_80 = arith.constant 0 : i32
      %dma_wait3A_81 = arith.constant 0 : i32
      %dma_wait3A_82 = tpu.memref_slice %arg2[%dma_wait3A_80, %dma_wait3A_81] : memref<10000x128xf32, #tpu.memory_space<hbm>> -> memref<10000x128xf32, #tpu.memory_space<hbm>>
      tpu.wait_indirect_dma semaphore(%arg12 : memref<!tpu.dma_semaphore, #tpu.memory_space<semaphore_mem>>) src(%dma_wait3A_82 : memref<10000x128xf32, #tpu.memory_space<hbm>>) dst(%arg10 : memref<128x128xf32, #tpu.memory_space<vmem>>)
      %add3A_83 = arith.constant 1 : i32
      %add3A_84 = arith.addi %add3A_79, %add3A_83 : i32
      %mul3A_85 = arith.constant 128 : i32
      %mul3A_86 = arith.muli %add3A_84, %mul3A_85 : i32
      %dma_wait3A_87 = tpu.memref_slice %arg3[%mul3A_86] : memref<320000xi32, #tpu.memory_space<hbm>> -> memref<128xi32, #tpu.memory_space<hbm>>
      %dma_wait3A_88 = tpu.memref_slice %arg3[%mul3A_86] : memref<320000xi32, #tpu.memory_space<hbm>> -> memref<128xi32, #tpu.memory_space<hbm>>
      tpu.wait_dma2 semaphore(%arg15 : memref<!tpu.dma_semaphore, #tpu.memory_space<semaphore_mem>>) src(%dma_wait3A_88 : memref<128xi32, #tpu.memory_space<hbm>>) dst(%arg7 : memref<128xi32, #tpu.memory_space<vmem>>)
      %mul3A_89 = arith.constant 128 : i32
      %mul3A_90 = arith.muli %add3A_84, %mul3A_89 : i32
      %dma_wait3A_91 = tpu.memref_slice %arg4[%mul3A_90] : memref<320000xi32, #tpu.memory_space<hbm>> -> memref<128xi32, #tpu.memory_space<hbm>>
      %dma_wait3A_92 = tpu.memref_slice %arg4[%mul3A_90] : memref<320000xi32, #tpu.memory_space<hbm>> -> memref<128xi32, #tpu.memory_space<hbm>>
      tpu.wait_dma2 semaphore(%arg15 : memref<!tpu.dma_semaphore, #tpu.memory_space<semaphore_mem>>) src(%dma_wait3A_92 : memref<128xi32, #tpu.memory_space<hbm>>) dst(%arg9 : memref<128xi32, #tpu.memory_space<vmem>>)
      %dma_start3A_93 = arith.constant 0 : i32
      %dma_start3A_94 = arith.constant 0 : i32
      %dma_start3A_95 = tpu.memref_slice %arg2[%dma_start3A_93, %dma_start3A_94] : memref<10000x128xf32, #tpu.memory_space<hbm>> -> memref<10000x128xf32, #tpu.memory_space<hbm>>
      tpu.enqueue_indirect_dma source(%dma_start3A_95 : memref<10000x128xf32, #tpu.memory_space<hbm>>) target(%arg11 : memref<128x128xf32, #tpu.memory_space<vmem>>) offsets(%arg7 : memref<128xi32, #tpu.memory_space<vmem>>) semaphore(%arg13 : memref<!tpu.dma_semaphore, #tpu.memory_space<semaphore_mem>>)
      "tpu.region"() ({
        %run_scoped3A = tpu.sem_alloc : memref<!tpu.dma_semaphore, #tpu.memory_space<semaphore_mem>>
        %dma_start3A_132 = arith.constant 0 : i32
        %dma_start3A_133 = arith.constant 0 : i32
        %dma_start3A_134 = tpu.memref_slice %arg16[%dma_start3A_132, %dma_start3A_133] : memref<10000x128xf32, #tpu.memory_space<vmem_shared>> -> memref<10000x128xf32, #tpu.memory_space<vmem_shared>>
        tpu.enqueue_indirect_dma source(%arg10 : memref<128x128xf32, #tpu.memory_space<vmem>>) target(%dma_start3A_134 : memref<10000x128xf32, #tpu.memory_space<vmem_shared>>) offsets(%arg8 : memref<128xi32, #tpu.memory_space<vmem>>) semaphore(%run_scoped3A : memref<!tpu.dma_semaphore, #tpu.memory_space<semaphore_mem>>) {add = true}
        %dma_wait3A_135 = arith.constant 0 : i32
        %dma_wait3A_136 = arith.constant 0 : i32
        %dma_wait3A_137 = tpu.memref_slice %arg16[%dma_wait3A_135, %dma_wait3A_136] : memref<10000x128xf32, #tpu.memory_space<vmem_shared>> -> memref<10000x128xf32, #tpu.memory_space<vmem_shared>>
        tpu.wait_indirect_dma semaphore(%run_scoped3A : memref<!tpu.dma_semaphore, #tpu.memory_space<semaphore_mem>>) src(%arg10 : memref<128x128xf32, #tpu.memory_space<vmem>>) dst(%dma_wait3A_137 : memref<10000x128xf32, #tpu.memory_space<vmem_shared>>)
        tpu.yield
      }) : () -> ()
      %add3A_96 = arith.constant 2 : i32
      %add3A_97 = arith.addi %add3A_79, %add3A_96 : i32
      %mul3A_98 = arith.constant 128 : i32
      %mul3A_99 = arith.muli %add3A_97, %mul3A_98 : i32
      %dma_start3A_100 = tpu.memref_slice %arg3[%mul3A_99] : memref<320000xi32, #tpu.memory_space<hbm>> -> memref<128xi32, #tpu.memory_space<hbm>>
      %dma_start3A_101 = tpu.memref_slice %arg3[%mul3A_99] : memref<320000xi32, #tpu.memory_space<hbm>> -> memref<128xi32, #tpu.memory_space<hbm>>
      tpu.enqueue_dma source(%dma_start3A_101 : memref<128xi32, #tpu.memory_space<hbm>>) target(%arg6 : memref<128xi32, #tpu.memory_space<vmem>>) target_semaphore(%arg14 : memref<!tpu.dma_semaphore, #tpu.memory_space<semaphore_mem>>)
      %mul3A_102 = arith.constant 128 : i32
      %mul3A_103 = arith.muli %add3A_97, %mul3A_102 : i32
      %dma_start3A_104 = tpu.memref_slice %arg4[%mul3A_103] : memref<320000xi32, #tpu.memory_space<hbm>> -> memref<128xi32, #tpu.memory_space<hbm>>
      %dma_start3A_105 = tpu.memref_slice %arg4[%mul3A_103] : memref<320000xi32, #tpu.memory_space<hbm>> -> memref<128xi32, #tpu.memory_space<hbm>>
      tpu.enqueue_dma source(%dma_start3A_105 : memref<128xi32, #tpu.memory_space<hbm>>) target(%arg8 : memref<128xi32, #tpu.memory_space<vmem>>) target_semaphore(%arg14 : memref<!tpu.dma_semaphore, #tpu.memory_space<semaphore_mem>>)
      %dma_wait3A_106 = arith.constant 0 : i32
      %dma_wait3A_107 = arith.constant 0 : i32
      %dma_wait3A_108 = tpu.memref_slice %arg2[%dma_wait3A_106, %dma_wait3A_107] : memref<10000x128xf32, #tpu.memory_space<hbm>> -> memref<10000x128xf32, #tpu.memory_space<hbm>>
      tpu.wait_indirect_dma semaphore(%arg13 : memref<!tpu.dma_semaphore, #tpu.memory_space<semaphore_mem>>) src(%dma_wait3A_108 : memref<10000x128xf32, #tpu.memory_space<hbm>>) dst(%arg11 : memref<128x128xf32, #tpu.memory_space<vmem>>)
      %add3A_109 = arith.constant 2 : i32
      %add3A_110 = arith.addi %add3A_79, %add3A_109 : i32
      %mul3A_111 = arith.constant 128 : i32
      %mul3A_112 = arith.muli %add3A_110, %mul3A_111 : i32
      %dma_wait3A_113 = tpu.memref_slice %arg3[%mul3A_112] : memref<320000xi32, #tpu.memory_space<hbm>> -> memref<128xi32, #tpu.memory_space<hbm>>
      %dma_wait3A_114 = tpu.memref_slice %arg3[%mul3A_112] : memref<320000xi32, #tpu.memory_space<hbm>> -> memref<128xi32, #tpu.memory_space<hbm>>
      tpu.wait_dma2 semaphore(%arg14 : memref<!tpu.dma_semaphore, #tpu.memory_space<semaphore_mem>>) src(%dma_wait3A_114 : memref<128xi32, #tpu.memory_space<hbm>>) dst(%arg6 : memref<128xi32, #tpu.memory_space<vmem>>)
      %mul3A_115 = arith.constant 128 : i32
      %mul3A_116 = arith.muli %add3A_110, %mul3A_115 : i32
      %dma_wait3A_117 = tpu.memref_slice %arg4[%mul3A_116] : memref<320000xi32, #tpu.memory_space<hbm>> -> memref<128xi32, #tpu.memory_space<hbm>>
      %dma_wait3A_118 = tpu.memref_slice %arg4[%mul3A_116] : memref<320000xi32, #tpu.memory_space<hbm>> -> memref<128xi32, #tpu.memory_space<hbm>>
      tpu.wait_dma2 semaphore(%arg14 : memref<!tpu.dma_semaphore, #tpu.memory_space<semaphore_mem>>) src(%dma_wait3A_118 : memref<128xi32, #tpu.memory_space<hbm>>) dst(%arg8 : memref<128xi32, #tpu.memory_space<vmem>>)
      %dma_start3A_119 = arith.constant 0 : i32
      %dma_start3A_120 = arith.constant 0 : i32
      %dma_start3A_121 = tpu.memref_slice %arg2[%dma_start3A_119, %dma_start3A_120] : memref<10000x128xf32, #tpu.memory_space<hbm>> -> memref<10000x128xf32, #tpu.memory_space<hbm>>
      tpu.enqueue_indirect_dma source(%dma_start3A_121 : memref<10000x128xf32, #tpu.memory_space<hbm>>) target(%arg10 : memref<128x128xf32, #tpu.memory_space<vmem>>) offsets(%arg6 : memref<128xi32, #tpu.memory_space<vmem>>) semaphore(%arg12 : memref<!tpu.dma_semaphore, #tpu.memory_space<semaphore_mem>>)
      "tpu.region"() ({
        %run_scoped3A = tpu.sem_alloc : memref<!tpu.dma_semaphore, #tpu.memory_space<semaphore_mem>>
        %dma_start3A_132 = arith.constant 0 : i32
        %dma_start3A_133 = arith.constant 0 : i32
        %dma_start3A_134 = tpu.memref_slice %arg16[%dma_start3A_132, %dma_start3A_133] : memref<10000x128xf32, #tpu.memory_space<vmem_shared>> -> memref<10000x128xf32, #tpu.memory_space<vmem_shared>>
        tpu.enqueue_indirect_dma source(%arg11 : memref<128x128xf32, #tpu.memory_space<vmem>>) target(%dma_start3A_134 : memref<10000x128xf32, #tpu.memory_space<vmem_shared>>) offsets(%arg9 : memref<128xi32, #tpu.memory_space<vmem>>) semaphore(%run_scoped3A : memref<!tpu.dma_semaphore, #tpu.memory_space<semaphore_mem>>) {add = true}
        %dma_wait3A_135 = arith.constant 0 : i32
        %dma_wait3A_136 = arith.constant 0 : i32
        %dma_wait3A_137 = tpu.memref_slice %arg16[%dma_wait3A_135, %dma_wait3A_136] : memref<10000x128xf32, #tpu.memory_space<vmem_shared>> -> memref<10000x128xf32, #tpu.memory_space<vmem_shared>>
        tpu.wait_indirect_dma semaphore(%run_scoped3A : memref<!tpu.dma_semaphore, #tpu.memory_space<semaphore_mem>>) src(%arg11 : memref<128x128xf32, #tpu.memory_space<vmem>>) dst(%dma_wait3A_137 : memref<10000x128xf32, #tpu.memory_space<vmem_shared>>)
        tpu.yield
      }) : () -> ()
      %add3A_122 = arith.constant 3 : i32
      %add3A_123 = arith.addi %add3A_79, %add3A_122 : i32
      %mul3A_124 = arith.constant 128 : i32
      %mul3A_125 = arith.muli %add3A_123, %mul3A_124 : i32
      %dma_start3A_126 = tpu.memref_slice %arg3[%mul3A_125] : memref<320000xi32, #tpu.memory_space<hbm>> -> memref<128xi32, #tpu.memory_space<hbm>>
      %dma_start3A_127 = tpu.memref_slice %arg3[%mul3A_125] : memref<320000xi32, #tpu.memory_space<hbm>> -> memref<128xi32, #tpu.memory_space<hbm>>
      tpu.enqueue_dma source(%dma_start3A_127 : memref<128xi32, #tpu.memory_space<hbm>>) target(%arg7 : memref<128xi32, #tpu.memory_space<vmem>>) target_semaphore(%arg15 : memref<!tpu.dma_semaphore, #tpu.memory_space<semaphore_mem>>)
      %mul3A_128 = arith.constant 128 : i32
      %mul3A_129 = arith.muli %add3A_123, %mul3A_128 : i32
      %dma_start3A_130 = tpu.memref_slice %arg4[%mul3A_129] : memref<320000xi32, #tpu.memory_space<hbm>> -> memref<128xi32, #tpu.memory_space<hbm>>
      %dma_start3A_131 = tpu.memref_slice %arg4[%mul3A_129] : memref<320000xi32, #tpu.memory_space<hbm>> -> memref<128xi32, #tpu.memory_space<hbm>>
      tpu.enqueue_dma source(%dma_start3A_131 : memref<128xi32, #tpu.memory_space<hbm>>) target(%arg9 : memref<128xi32, #tpu.memory_space<vmem>>) target_semaphore(%arg15 : memref<!tpu.dma_semaphore, #tpu.memory_space<semaphore_mem>>)
    }
    %scan3A_43 = arith.constant 39 : i32
    %dma_wait3A_44 = arith.constant 0 : i32
    %dma_wait3A_45 = arith.constant 0 : i32
    %dma_wait3A_46 = tpu.memref_slice %arg2[%dma_wait3A_44, %dma_wait3A_45] : memref<10000x128xf32, #tpu.memory_space<hbm>> -> memref<10000x128xf32, #tpu.memory_space<hbm>>
    tpu.wait_indirect_dma semaphore(%arg12 : memref<!tpu.dma_semaphore, #tpu.memory_space<semaphore_mem>>) src(%dma_wait3A_46 : memref<10000x128xf32, #tpu.memory_space<hbm>>) dst(%arg10 : memref<128x128xf32, #tpu.memory_space<vmem>>)
    %add3A_47 = arith.constant 78 : i32
    %add3A_48 = arith.addi %mul3A_2, %add3A_47 : i32
    %add3A_49 = arith.constant 1 : i32
    %add3A_50 = arith.addi %add3A_48, %add3A_49 : i32
    %mul3A_51 = arith.constant 128 : i32
    %mul3A_52 = arith.muli %add3A_50, %mul3A_51 : i32
    %dma_wait3A_53 = tpu.memref_slice %arg3[%mul3A_52] : memref<320000xi32, #tpu.memory_space<hbm>> -> memref<128xi32, #tpu.memory_space<hbm>>
    %dma_wait3A_54 = tpu.memref_slice %arg3[%mul3A_52] : memref<320000xi32, #tpu.memory_space<hbm>> -> memref<128xi32, #tpu.memory_space<hbm>>
    tpu.wait_dma2 semaphore(%arg15 : memref<!tpu.dma_semaphore, #tpu.memory_space<semaphore_mem>>) src(%dma_wait3A_54 : memref<128xi32, #tpu.memory_space<hbm>>) dst(%arg7 : memref<128xi32, #tpu.memory_space<vmem>>)
    %mul3A_55 = arith.constant 128 : i32
    %mul3A_56 = arith.muli %add3A_50, %mul3A_55 : i32
    %dma_wait3A_57 = tpu.memref_slice %arg4[%mul3A_56] : memref<320000xi32, #tpu.memory_space<hbm>> -> memref<128xi32, #tpu.memory_space<hbm>>
    %dma_wait3A_58 = tpu.memref_slice %arg4[%mul3A_56] : memref<320000xi32, #tpu.memory_space<hbm>> -> memref<128xi32, #tpu.memory_space<hbm>>
    tpu.wait_dma2 semaphore(%arg15 : memref<!tpu.dma_semaphore, #tpu.memory_space<semaphore_mem>>) src(%dma_wait3A_58 : memref<128xi32, #tpu.memory_space<hbm>>) dst(%arg9 : memref<128xi32, #tpu.memory_space<vmem>>)
    %barrier3A_59 = arith.constant 0 : index
    tpu.barrier barrier_id(%barrier3A_59)
    %mul3A_60 = arith.constant 624 : i32
    %mul3A_61 = arith.muli %arg1, %mul3A_60 : i32
    %mul3A_62 = arith.constant 10000 : i32
    %mul3A_63 = arith.muli %arg0, %mul3A_62 : i32
    %mul3A_64 = arith.constant 624 : i32
    %mul3A_65 = arith.muli %arg1, %mul3A_64 : i32
    %add3A_66 = arith.addi %mul3A_63, %mul3A_65 : i32
    "tpu.region"() ({
      %run_scoped3A = tpu.sem_alloc : memref<!tpu.dma_semaphore, #tpu.memory_space<semaphore_mem>>
      %dma_start3A_72 = arith.constant 0 : i32
      %dma_start3A_73 = tpu.memref_slice %arg5[%add3A_66, %dma_start3A_72] : memref<20000x128xf32, #tpu.memory_space<hbm>> -> memref<624x128xf32, #tpu.memory_space<hbm>>
      %dma_start3A_74 = arith.constant 0 : i32
      %dma_start3A_75 = tpu.memref_slice %arg16[%mul3A_61, %dma_start3A_74] : memref<10000x128xf32, #tpu.memory_space<vmem_shared>> -> memref<624x128xf32, #tpu.memory_space<vmem_shared>>
      tpu.enqueue_dma source(%dma_start3A_75 : memref<624x128xf32, #tpu.memory_space<vmem_shared>>) target(%dma_start3A_73 : memref<624x128xf32, #tpu.memory_space<hbm>>) target_semaphore(%run_scoped3A : memref<!tpu.dma_semaphore, #tpu.memory_space<semaphore_mem>>)
      %dma_wait3A_76 = arith.constant 0 : i32
      %dma_wait3A_77 = tpu.memref_slice %arg5[%add3A_66, %dma_wait3A_76] : memref<20000x128xf32, #tpu.memory_space<hbm>> -> memref<624x128xf32, #tpu.memory_space<hbm>>
      %dma_wait3A_78 = arith.constant 0 : i32
      %dma_wait3A_79 = tpu.memref_slice %arg16[%mul3A_61, %dma_wait3A_78] : memref<10000x128xf32, #tpu.memory_space<vmem_shared>> -> memref<624x128xf32, #tpu.memory_space<vmem_shared>>
      tpu.wait_dma2 semaphore(%run_scoped3A : memref<!tpu.dma_semaphore, #tpu.memory_space<semaphore_mem>>) src(%dma_wait3A_79 : memref<624x128xf32, #tpu.memory_space<vmem_shared>>) dst(%dma_wait3A_77 : memref<624x128xf32, #tpu.memory_space<hbm>>)
      tpu.yield
    }) : () -> ()
    %eq3A_67 = arith.constant 15 : i32
    %eq3A_68 = arith.cmpi eq, %arg1, %eq3A_67 : i32
    %convert_element_type3A_69 = arith.extui %eq3A_68 : i1 to i32
    %cond3A_70 = arith.constant 0 : i32
    %cond3A_71 = arith.cmpi ne, %convert_element_type3A_69, %cond3A_70 : i32
    scf.if %cond3A_71 {
      %mul3A_72 = arith.constant 10000 : i32
      %mul3A_73 = arith.muli %arg0, %mul3A_72 : i32
      %add3A_74 = arith.constant 9984 : i32
      %add3A_75 = arith.addi %mul3A_73, %add3A_74 : i32
      "tpu.region"() ({
        %run_scoped3A = tpu.sem_alloc : memref<!tpu.dma_semaphore, #tpu.memory_space<semaphore_mem>>
        %dma_start3A_76 = arith.constant 0 : i32
        %dma_start3A_77 = tpu.memref_slice %arg5[%add3A_75, %dma_start3A_76] : memref<20000x128xf32, #tpu.memory_space<hbm>> -> memref<16x128xf32, #tpu.memory_space<hbm>>
        %dma_start3A_78 = arith.constant 9984 : i32
        %dma_start3A_79 = arith.constant 0 : i32
        %dma_start3A_80 = tpu.memref_slice %arg16[%dma_start3A_78, %dma_start3A_79] : memref<10000x128xf32, #tpu.memory_space<vmem_shared>> -> memref<16x128xf32, #tpu.memory_space<vmem_shared>>
        tpu.enqueue_dma source(%dma_start3A_80 : memref<16x128xf32, #tpu.memory_space<vmem_shared>>) target(%dma_start3A_77 : memref<16x128xf32, #tpu.memory_space<hbm>>) target_semaphore(%run_scoped3A : memref<!tpu.dma_semaphore, #tpu.memory_space<semaphore_mem>>)
        %dma_wait3A_81 = arith.constant 0 : i32
        %dma_wait3A_82 = tpu.memref_slice %arg5[%add3A_75, %dma_wait3A_81] : memref<20000x128xf32, #tpu.memory_space<hbm>> -> memref<16x128xf32, #tpu.memory_space<hbm>>
        %dma_wait3A_83 = arith.constant 9984 : i32
        %dma_wait3A_84 = arith.constant 0 : i32
        %dma_wait3A_85 = tpu.memref_slice %arg16[%dma_wait3A_83, %dma_wait3A_84] : memref<10000x128xf32, #tpu.memory_space<vmem_shared>> -> memref<16x128xf32, #tpu.memory_space<vmem_shared>>
        tpu.wait_dma2 semaphore(%run_scoped3A : memref<!tpu.dma_semaphore, #tpu.memory_space<semaphore_mem>>) src(%dma_wait3A_85 : memref<16x128xf32, #tpu.memory_space<vmem_shared>>) dst(%dma_wait3A_82 : memref<16x128xf32, #tpu.memory_space<hbm>>)
        tpu.yield
      }) : () -> ()
    } else {
    }
    return
  }
}

module attributes {stable_mosaic.version = 14 : i64} {
  func.func @_mm_body(%arg0: i32, %arg1: memref<1000x128xf32, #tpu.memory_space<vmem>>, %arg2: memref<128x128xf32, #tpu.memory_space<vmem>>, %arg3: memref<1000x128xf32, #tpu.memory_space<vmem>>) attributes {dimension_semantics = [#tpu.dimension_semantics<arbitrary>], iteration_bounds = array<i64: 10>, scalar_prefetch = 0 : i64, scratch_operands = 0 : i64, tpu.core_type = #tpu.core_type<tc>, window_params = [{transform_indices = @transform_0, window_bounds = array<i64: 1000, 128>}, {pipeline_mode = #tpu.pipeline_mode<synchronous>, transform_indices = @transform_1, window_bounds = array<i64: 128, 128>}, {transform_indices = @transform_2, window_bounds = array<i64: 1000, 128>}]} {
    %get3A = arith.constant 0 : index
    %get3A_0 = arith.constant 0 : index
    %get3A_1 = vector.load %arg1[%get3A, %get3A_0] : memref<1000x128xf32, #tpu.memory_space<vmem>>, vector<1000x128xf32>
    %get3A_2 = arith.constant 0 : index
    %get3A_3 = arith.constant 0 : index
    %get3A_4 = vector.load %arg2[%get3A_2, %get3A_3] : memref<128x128xf32, #tpu.memory_space<vmem>>, vector<128x128xf32>
    %dot_general3A = arith.constant dense<0.000000e+00> : vector<1000x128xf32>
    %dot_general3A_5 = tpu.matmul %get3A_1, %get3A_4, %dot_general3A {dimension_numbers = #tpu.dot_dimension_numbers<[1], [1], [0], [0], [0, 0, 1, 0], [], []>, transpose_lhs_hint = false} : vector<1000x128xf32>, vector<128x128xf32>, vector<1000x128xf32> -> vector<1000x128xf32>
    %swap3A = arith.constant 0 : index
    %swap3A_6 = arith.constant 0 : index
    %swap3A_7 = vector.load %arg3[%swap3A, %swap3A_6] : memref<1000x128xf32, #tpu.memory_space<vmem>>, vector<1000x128xf32>
    tpu.vector_store %arg3[%swap3A, %swap3A_6], %dot_general3A_5 {strides = array<i32>} : memref<1000x128xf32, #tpu.memory_space<vmem>>, vector<1000x128xf32>,
    return
  }
  func.func @transform_0(%arg0: i32) -> (i32, i32) {
    %c0_i32 = arith.constant 0 : i32
    %c0_i32_0 = arith.constant 0 : i32
    return %arg0, %c0_i32 : i32, i32
  }
  func.func @transform_1(%arg0: i32) -> (i32, i32) {
    %c0_i32 = arith.constant 0 : i32
    %c0_i32_0 = arith.constant 0 : i32
    %c0_i32_1 = arith.constant 0 : i32
    return %c0_i32, %c0_i32_0 : i32, i32
  }
  func.func @transform_2(%arg0: i32) -> (i32, i32) {
    %c0_i32 = arith.constant 0 : i32
    %c0_i32_0 = arith.constant 0 : i32
    return %arg0, %c0_i32 : i32, i32
  }
}

module attributes {stable_mosaic.version = 14 : i64} {
  func.func @_u0_body(%arg0: i32, %arg1: memref<1000x128xf32, #tpu.memory_space<vmem>>, %arg2: memref<1000x128xf32, #tpu.memory_space<vmem>>, %arg3: memref<1000x128xf32, #tpu.memory_space<vmem>>, %arg4: memref<1000x128xf32, #tpu.memory_space<vmem>>, %arg5: memref<1000x128xf32, #tpu.memory_space<vmem>>) attributes {dimension_semantics = [#tpu.dimension_semantics<arbitrary>], iteration_bounds = array<i64: 10>, scalar_prefetch = 0 : i64, scratch_operands = 0 : i64, tpu.core_type = #tpu.core_type<tc>, window_params = [{transform_indices = @transform_0, window_bounds = array<i64: 1000, 128>}, {transform_indices = @transform_1, window_bounds = array<i64: 1000, 128>}, {transform_indices = @transform_2, window_bounds = array<i64: 1000, 128>}, {transform_indices = @transform_3, window_bounds = array<i64: 1000, 128>}, {transform_indices = @transform_4, window_bounds = array<i64: 1000, 128>}]} {
    %get3A = arith.constant 0 : index
    %get3A_0 = arith.constant 0 : index
    %get3A_1 = vector.load %arg2[%get3A, %get3A_0] : memref<1000x128xf32, #tpu.memory_space<vmem>>, vector<1000x128xf32>
    %get3A_2 = arith.constant 0 : index
    %get3A_3 = arith.constant 0 : index
    %get3A_4 = vector.load %arg3[%get3A_2, %get3A_3] : memref<1000x128xf32, #tpu.memory_space<vmem>>, vector<1000x128xf32>
    %add3A = arith.addf %get3A_1, %get3A_4 : vector<1000x128xf32>
    %sub3A = arith.constant 1.000000e+00 : f32
    %sub3A_5 = vector.broadcast %sub3A : f32 to vector<1000x128xf32>
    %sub3A_6 = arith.subf %add3A, %sub3A_5 : vector<1000x128xf32>
    %rsqrt3A = math.rsqrt %sub3A_6 : vector<1000x128xf32>
    %get3A_7 = arith.constant 0 : index
    %get3A_8 = arith.constant 0 : index
    %get3A_9 = vector.load %arg1[%get3A_7, %get3A_8] : memref<1000x128xf32, #tpu.memory_space<vmem>>, vector<1000x128xf32>
    %mul3A = arith.mulf %rsqrt3A, %get3A_9 : vector<1000x128xf32>
    %swap3A = arith.constant 0 : index
    %swap3A_10 = arith.constant 0 : index
    %swap3A_11 = vector.load %arg4[%swap3A, %swap3A_10] : memref<1000x128xf32, #tpu.memory_space<vmem>>, vector<1000x128xf32>
    tpu.vector_store %arg4[%swap3A, %swap3A_10], %mul3A {strides = array<i32>} : memref<1000x128xf32, #tpu.memory_space<vmem>>, vector<1000x128xf32>,
    %swap3A_12 = arith.constant 0 : index
    %swap3A_13 = arith.constant 0 : index
    %swap3A_14 = vector.load %arg5[%swap3A_12, %swap3A_13] : memref<1000x128xf32, #tpu.memory_space<vmem>>, vector<1000x128xf32>
    tpu.vector_store %arg5[%swap3A_12, %swap3A_13], %rsqrt3A {strides = array<i32>} : memref<1000x128xf32, #tpu.memory_space<vmem>>, vector<1000x128xf32>,
    return
  }
  func.func @transform_0(%arg0: i32) -> (i32, i32) {
    %c0_i32 = arith.constant 0 : i32
    %c0_i32_0 = arith.constant 0 : i32
    return %arg0, %c0_i32 : i32, i32
  }
  func.func @transform_1(%arg0: i32) -> (i32, i32) {
    %c0_i32 = arith.constant 0 : i32
    %c0_i32_0 = arith.constant 0 : i32
    return %arg0, %c0_i32 : i32, i32
  }
  func.func @transform_2(%arg0: i32) -> (i32, i32) {
    %add3A = arith.constant 10 : i32
    %add3A_0 = arith.addi %arg0, %add3A : i32
    %c0_i32 = arith.constant 0 : i32
    %c0_i32_1 = arith.constant 0 : i32
    return %add3A_0, %c0_i32 : i32, i32
  }
  func.func @transform_3(%arg0: i32) -> (i32, i32) {
    %c0_i32 = arith.constant 0 : i32
    %c0_i32_0 = arith.constant 0 : i32
    return %arg0, %c0_i32 : i32, i32
  }
  func.func @transform_4(%arg0: i32) -> (i32, i32) {
    %c0_i32 = arith.constant 0 : i32
    %c0_i32_0 = arith.constant 0 : i32
    return %arg0, %c0_i32 : i32, i32
  }
}

module attributes {stable_mosaic.version = 14 : i64} {
  func.func @_u1_body(%arg0: i32, %arg1: memref<1000x128xf32, #tpu.memory_space<vmem>>, %arg2: memref<1000x128xf32, #tpu.memory_space<vmem>>, %arg3: memref<1000x128xf32, #tpu.memory_space<vmem>>, %arg4: memref<1000x128xf32, #tpu.memory_space<vmem>>, %arg5: memref<1000x128xf32, #tpu.memory_space<vmem>>) attributes {dimension_semantics = [#tpu.dimension_semantics<arbitrary>], iteration_bounds = array<i64: 10>, scalar_prefetch = 0 : i64, scratch_operands = 0 : i64, tpu.core_type = #tpu.core_type<tc>, window_params = [{transform_indices = @transform_0, window_bounds = array<i64: 1000, 128>}, {transform_indices = @transform_1, window_bounds = array<i64: 1000, 128>}, {transform_indices = @transform_2, window_bounds = array<i64: 1000, 128>}, {transform_indices = @transform_3, window_bounds = array<i64: 1000, 128>}, {transform_indices = @transform_4, window_bounds = array<i64: 1000, 128>}]} {
    %get3A = arith.constant 0 : index
    %get3A_0 = arith.constant 0 : index
    %get3A_1 = vector.load %arg4[%get3A, %get3A_0] : memref<1000x128xf32, #tpu.memory_space<vmem>>, vector<1000x128xf32>
    %mul3A = arith.mulf %get3A_1, %get3A_1 : vector<1000x128xf32>
    %get3A_2 = arith.constant 0 : index
    %get3A_3 = arith.constant 0 : index
    %get3A_4 = vector.load %arg1[%get3A_2, %get3A_3] : memref<1000x128xf32, #tpu.memory_space<vmem>>, vector<1000x128xf32>
    %get3A_5 = arith.constant 0 : index
    %get3A_6 = arith.constant 0 : index
    %get3A_7 = vector.load %arg2[%get3A_5, %get3A_6] : memref<1000x128xf32, #tpu.memory_space<vmem>>, vector<1000x128xf32>
    %add3A = arith.addf %get3A_4, %get3A_7 : vector<1000x128xf32>
    %get3A_8 = arith.constant 0 : index
    %get3A_9 = arith.constant 0 : index
    %get3A_10 = vector.load %arg3[%get3A_8, %get3A_9] : memref<1000x128xf32, #tpu.memory_space<vmem>>, vector<1000x128xf32>
    %sub3A = arith.subf %add3A, %get3A_10 : vector<1000x128xf32>
    %mul3A_11 = arith.mulf %mul3A, %sub3A : vector<1000x128xf32>
    %swap3A = arith.constant 0 : index
    %swap3A_12 = arith.constant 0 : index
    %swap3A_13 = vector.load %arg5[%swap3A, %swap3A_12] : memref<1000x128xf32, #tpu.memory_space<vmem>>, vector<1000x128xf32>
    tpu.vector_store %arg5[%swap3A, %swap3A_12], %mul3A_11 {strides = array<i32>} : memref<1000x128xf32, #tpu.memory_space<vmem>>, vector<1000x128xf32>,
    return
  }
  func.func @transform_0(%arg0: i32) -> (i32, i32) {
    %c0_i32 = arith.constant 0 : i32
    %c0_i32_0 = arith.constant 0 : i32
    return %arg0, %c0_i32 : i32, i32
  }
  func.func @transform_1(%arg0: i32) -> (i32, i32) {
    %add3A = arith.constant 10 : i32
    %add3A_0 = arith.addi %arg0, %add3A : i32
    %c0_i32 = arith.constant 0 : i32
    %c0_i32_1 = arith.constant 0 : i32
    return %add3A_0, %c0_i32 : i32, i32
  }
  func.func @transform_2(%arg0: i32) -> (i32, i32) {
    %c0_i32 = arith.constant 0 : i32
    %c0_i32_0 = arith.constant 0 : i32
    return %arg0, %c0_i32 : i32, i32
  }
  func.func @transform_3(%arg0: i32) -> (i32, i32) {
    %c0_i32 = arith.constant 0 : i32
    %c0_i32_0 = arith.constant 0 : i32
    return %arg0, %c0_i32 : i32, i32
  }
  func.func @transform_4(%arg0: i32) -> (i32, i32) {
    %c0_i32 = arith.constant 0 : i32
    %c0_i32_0 = arith.constant 0 : i32
    return %arg0, %c0_i32 : i32, i32
  }
}

module attributes {stable_mosaic.version = 14 : i64} {
  func.func @_fin_body(%arg0: i32, %arg1: memref<1000x128xf32, #tpu.memory_space<vmem>>, %arg2: memref<1000x128xf32, #tpu.memory_space<vmem>>, %arg3: memref<1000x128xf32, #tpu.memory_space<vmem>>, %arg4: memref<1000x128xf32, #tpu.memory_space<vmem>>, %arg5: memref<1x128xf32, #tpu.memory_space<vmem>>, %arg6: memref<1000x128xf32, #tpu.memory_space<vmem>>) attributes {dimension_semantics = [#tpu.dimension_semantics<arbitrary>], iteration_bounds = array<i64: 10>, scalar_prefetch = 0 : i64, scratch_operands = 0 : i64, tpu.core_type = #tpu.core_type<tc>, window_params = [{transform_indices = @transform_0, window_bounds = array<i64: 1000, 128>}, {transform_indices = @transform_1, window_bounds = array<i64: 1000, 128>}, {transform_indices = @transform_2, window_bounds = array<i64: 1000, 128>}, {transform_indices = @transform_3, window_bounds = array<i64: 1000, 128>}, {pipeline_mode = #tpu.pipeline_mode<synchronous>, transform_indices = @transform_4, window_bounds = array<i64: 1, 128>}, {transform_indices = @transform_5, window_bounds = array<i64: 1000, 128>}]} {
    %get3A = arith.constant 0 : index
    %get3A_0 = arith.constant 0 : index
    %get3A_1 = vector.load %arg4[%get3A, %get3A_0] : memref<1000x128xf32, #tpu.memory_space<vmem>>, vector<1000x128xf32>
    %get3A_2 = arith.constant 0 : index
    %get3A_3 = arith.constant 0 : index
    %get3A_4 = vector.load %arg1[%get3A_2, %get3A_3] : memref<1000x128xf32, #tpu.memory_space<vmem>>, vector<1000x128xf32>
    %get3A_5 = arith.constant 0 : index
    %get3A_6 = arith.constant 0 : index
    %get3A_7 = vector.load %arg2[%get3A_5, %get3A_6] : memref<1000x128xf32, #tpu.memory_space<vmem>>, vector<1000x128xf32>
    %add3A = arith.addf %get3A_4, %get3A_7 : vector<1000x128xf32>
    %get3A_8 = arith.constant 0 : index
    %get3A_9 = arith.constant 0 : index
    %get3A_10 = vector.load %arg3[%get3A_8, %get3A_9] : memref<1000x128xf32, #tpu.memory_space<vmem>>, vector<1000x128xf32>
    %sub3A = arith.subf %add3A, %get3A_10 : vector<1000x128xf32>
    %mul3A = arith.mulf %get3A_1, %sub3A : vector<1000x128xf32>
    %get3A_11 = arith.constant 0 : index
    %get3A_12 = arith.constant 0 : index
    %get3A_13 = vector.load %arg5[%get3A_11, %get3A_12] : memref<1x128xf32, #tpu.memory_space<vmem>>, vector<1x128xf32>
    %add3A_14 = vector.broadcast %get3A_13 : vector<1x128xf32> to vector<1000x128xf32>
    %add3A_15 = arith.addf %mul3A, %add3A_14 : vector<1000x128xf32>
    %swap3A = arith.constant 0 : index
    %swap3A_16 = arith.constant 0 : index
    %swap3A_17 = vector.load %arg6[%swap3A, %swap3A_16] : memref<1000x128xf32, #tpu.memory_space<vmem>>, vector<1000x128xf32>
    tpu.vector_store %arg6[%swap3A, %swap3A_16], %add3A_15 {strides = array<i32>} : memref<1000x128xf32, #tpu.memory_space<vmem>>, vector<1000x128xf32>,
    return
  }
  func.func @transform_0(%arg0: i32) -> (i32, i32) {
    %c0_i32 = arith.constant 0 : i32
    %c0_i32_0 = arith.constant 0 : i32
    return %arg0, %c0_i32 : i32, i32
  }
  func.func @transform_1(%arg0: i32) -> (i32, i32) {
    %add3A = arith.constant 10 : i32
    %add3A_0 = arith.addi %arg0, %add3A : i32
    %c0_i32 = arith.constant 0 : i32
    %c0_i32_1 = arith.constant 0 : i32
    return %add3A_0, %c0_i32 : i32, i32
  }
  func.func @transform_2(%arg0: i32) -> (i32, i32) {
    %c0_i32 = arith.constant 0 : i32
    %c0_i32_0 = arith.constant 0 : i32
    return %arg0, %c0_i32 : i32, i32
  }
  func.func @transform_3(%arg0: i32) -> (i32, i32) {
    %c0_i32 = arith.constant 0 : i32
    %c0_i32_0 = arith.constant 0 : i32
    return %arg0, %c0_i32 : i32, i32
  }
  func.func @transform_4(%arg0: i32) -> (i32, i32) {
    %c0_i32 = arith.constant 0 : i32
    %c0_i32_0 = arith.constant 0 : i32
    %c0_i32_1 = arith.constant 0 : i32
    return %c0_i32, %c0_i32_0 : i32, i32
  }
  func.func @transform_5(%arg0: i32) -> (i32, i32) {
    %c0_i32 = arith.constant 0 : i32
    %c0_i32_0 = arith.constant 0 : i32
    return %arg0, %c0_i32 : i32, i32
  }
}

</mosaic_0001>

<sc_bundles>
// kernel: kernel.12.cloned.1.call-start
scs
__scs_entry_jumppad:
0x0: {  	(pc) =	sbr.rel $0x88, $3  }
0x1: {  	(tag) =	ssettag $0x0;
	lr =	simm.s32 $0x1  }
0x2: {  	[smem:$0x3F9D] =	sst lr;
	_ =	strace $0xD0000000  }
0x3: {  	_ = 	snop  }
0x4: {  	_ = 	snop  }
0x5: {  	_ = 	snop  }
0x6: {  	_ = 	snop  }
0x7: {  	_ = 	snop  }
__scs_overlays_trampoline_lowered:
0x8: {  	[smem:$0x3FAC] =	sst s0  }
0x9: {  	[smem:$0x3FAD] =	sst s1  }
0xa: {  	[smem:$0x3FAE] =	sst s2  }
0xb: {  	[smem:$0x3FAF] =	sst s3  }
0xc: {  	[smem:$0x3FB0] =	sst s4  }
0xd: {  	[smem:$0x3FB1] =	sst s5  }
0xe: {  	[smem:$0x3FB2] =	sst s6  }
0xf: {  	[smem:$0x3FB3] =	sst s7  }
0x10: {  	[smem:$0x3FB4] =	sst s8  }
0x11: {  	[smem:$0x3FB5] =	sst s9;
	s0 =	simm.s32 @!p0 $0x0  }
0x12: {  	s1 =	sld [smem:$0x3F9B];
	s0 =	simm.s32 @p0 $0x1  }
0x13: {  	[smem:$0x3FB6] =	sst s0;
	s0 =	simm.s32 @!p1 $0x0  }
0x14: {  	s2 =	sld [smem:$0x3F9A];
	s0 =	simm.s32 @p1 $0x1  }
0x15: {  	[smem:$0x3FB7] =	sst s0;
	s0 =	simm.s32 @!p2 $0x0  }
0x16: {  	s3 =	sld [smem:$0x3FDB];
	s0 =	simm.s32 @p2 $0x1  }
0x17: {  	s4 =	simm.s32 $0x1BF5;
	[smem:$0x3FB9] =	sst s0  }
0x18: {  	s0 =	sld [smem:$0x3F9C];
	_ =	swait.ge [sflag:s4], $0x0  }
0x19: {  	s7 =	sld [smem:$0x3F9D]  }
0x1a: {  	s8 =	sadd.s32 $0xFFFFE003, lr  }
0x1b: {  	s9 =	sadd.s32 $0xFFFFFEF7, lr;
	s5 =	simm.s32 $0xFFFFFFFF;
	p2 =	slt.u32 s8, $0xFFFFF086  }
0x1c: {  	p1 =	slt.u32 s9, $0xF7A;
	s5 =	simm.s32 @!p2 $0x0  }
0x1d: {  	s5 =	simm.s32 @p1 $0x1;
	p0 =	seq.s32 s7, s2  }
0x1e: {  	s7 =	smul.u32 @!p0 $0xF7A, s2;
	p2 =	seq.s32 @!p0 s5, $0x0  }
0x1f: {  	s9 =	smul.u32 $0xF7A, s1;
	s8 =	simm.s32 @!p0 $0x1BF5;
	p2 =	por !p2, p0  }
0x20: {  	[sflag:s8] =	ssyncset.s32 @!p0 $0xFFFFF086;
	s6 =	sadd.s32 @!p0 s3, s7;
	s7 =	simm.s32 @!p0 $0x108  }
0x21: {  	s3 =	sadd.s32 s3, s9;
	s6 =	sadd.s32 @!p0 $0x88, s6;
	s7 =	simm.s32 @p2 $0x1082  }
0x22: {  	[simem:s7], [sflag:s8] =	dma.local @!p0 [hbm:s6], $0xF7A  }
0x23: {  	s9 =	sor.u32 $0xD0000000, s2;
	s6 =	simm.s32 $0x108;
	_ =	swait.ge @!p0 [sflag:s8], $0x0  }
0x24: {  	s3 =	sadd.s32 $0x88, s3;
	s6 =	simm.s32 @!p1 $0x1082;
	[sflag:s4] =	ssyncset.s32 $0xFFFFF086  }
0x25: {  	[simem:s6], [sflag:s4] =	dma.local [hbm:s3], $0xF7A  }
0x26: {  	[smem:$0x3F9D] =	sst s1;
	(tag) =	ssettag s2;
	_ =	strace s9  }
0x27: {  	s1 =	sld [smem:$0x3FAD]  }
0x28: {  	s2 =	sld [smem:$0x3FAE]  }
0x29: {  	s4 =	sld [smem:$0x3FB0]  }
0x2a: {  	p0 =	seq.s32 s5, $0x0;
	s5 =	sld [smem:$0x3FB1]  }
0x2b: {  	s6 =	sld [smem:$0x3FB2]  }
0x2c: {  	s7 =	sld [smem:$0x3FB3]  }
0x2d: {  	s3 =	simm.s32 $0x108;
	s8 =	sld [smem:$0x3FB4]  }
0x2e: {  	s3 =	simm.s32 @!p0 $0x1082;
	s9 =	sld [smem:$0x3FB5]  }
0x2f: {  	lr =	sadd.s32 s0, s3;
	s0 =	sld [smem:$0x3FAC]  }
0x30: {  	s3 =	sld [smem:$0x3FAF]  }
0x31: {  	[smem:$0x3FB8] =	sst s10  }
0x32: {  	s10 =	sld [smem:$0x3FB6];
	_ =	sdelay $0x3  }
0x33: {  	p0 =	seq.s32 s10, $0x1;
	s10 =	sld [smem:$0x3FB8];
	_ =	sdelay $0x3  }
0x34: {  	[smem:$0x3FB8] =	sst s10  }
0x35: {  	s10 =	sld [smem:$0x3FB7];
	_ =	sdelay $0x3  }
0x36: {  	p1 =	seq.s32 s10, $0x1;
	s10 =	sld [smem:$0x3FB8];
	_ =	sdelay $0x3  }
0x37: {  	[smem:$0x3FB8] =	sst s10  }
0x38: {  	s10 =	sld [smem:$0x3FB9]  }
0x39: {  	_ = 	snop;
	(pc) =	sbr.ind lr, $3  }
0x3a: {  	_ = 	snop  }
0x3b: {  	_ = 	snop  }
0x3c: {  	p2 =	seq.s32 s10, $0x1;
	s10 =	sld [smem:$0x3FB8]  }
0x3d: {  	_ =	shalt  }
0x3e: {  	_ =	shalt  }
0x3f: {  	_ =	shalt  }
0x40: {  	_ =	shalt  }
0x41: {  	_ =	shalt  }
0x42: {  	_ =	shalt  }
0x43: {  	_ =	shalt  }
0x44: {  	_ =	shalt  }
0x45: {  	_ =	shalt  }
0x46: {  	_ =	shalt  }
0x47: {  	_ =	shalt  }
0x48: {  	_ =	shalt  }
0x49: {  	_ =	shalt  }
0x4a: {  	_ =	shalt  }
0x4b: {  	_ =	shalt  }
0x4c: {  	_ =	shalt  }
0x4d: {  	_ =	shalt  }
0x4e: {  	_ =	shalt  }
0x4f: {  	_ =	shalt  }
0x50: {  	_ =	shalt  }
0x51: {  	_ =	shalt  }
0x52: {  	_ =	shalt  }
0x53: {  	_ =	shalt  }
0x54: {  	_ =	shalt  }
0x55: {  	_ =	shalt  }
0x56: {  	_ =	shalt  }
0x57: {  	_ =	shalt  }
0x58: {  	_ =	shalt  }
0x59: {  	_ =	shalt  }
0x5a: {  	_ =	shalt  }
0x5b: {  	_ =	shalt  }
0x5c: {  	_ =	shalt  }
0x5d: {  	_ =	shalt  }
0x5e: {  	_ =	shalt  }
0x5f: {  	_ =	shalt  }
0x60: {  	_ =	shalt  }
0x61: {  	_ =	shalt  }
0x62: {  	_ =	shalt  }
0x63: {  	_ =	shalt  }
0x64: {  	_ =	shalt  }
0x65: {  	_ =	shalt  }
0x66: {  	_ =	shalt  }
0x67: {  	_ =	shalt  }
0x68: {  	_ =	shalt  }
0x69: {  	_ =	shalt  }
0x6a: {  	_ =	shalt  }
0x6b: {  	_ =	shalt  }
0x6c: {  	_ =	shalt  }
0x6d: {  	_ =	shalt  }
0x6e: {  	_ =	shalt  }
0x6f: {  	_ =	shalt  }
0x70: {  	_ =	shalt  }
0x71: {  	_ =	shalt  }
0x72: {  	_ =	shalt  }
0x73: {  	_ =	shalt  }
0x74: {  	_ =	shalt  }
0x75: {  	_ =	shalt  }
0x76: {  	_ =	shalt  }
0x77: {  	_ =	shalt  }
0x78: {  	_ =	shalt  }
0x79: {  	_ =	shalt  }
0x7a: {  	_ =	shalt  }
0x7b: {  	_ =	shalt  }
0x7c: {  	_ =	shalt  }
0x7d: {  	_ =	shalt  }
0x7e: {  	_ =	shalt  }
0x7f: {  	_ =	shalt  }
0x80: {  	_ =	shalt  }
0x81: {  	_ =	shalt  }
0x82: {  	_ =	shalt  }
0x83: {  	_ =	shalt  }
0x84: {  	_ =	shalt  }
0x85: {  	_ =	shalt  }
0x86: {  	_ =	shalt  }
0x87: {  	_ =	shalt  }
.Lfunc_end0:
.L_simem_size_0:
called_computation.1_lowered:
.L_overlay_start_0:
0x88: {  	s2 =	sld [smem:$0x3FD9]  }
0x89: {  	s3 =	sld [smem:$0x3FFE];
	_ =	sdelay $0x1  }
0x8a: {  	s1 =	srdreg.scid  }
0x8b: {  	s0 =	sand.u32 $0x1, s1  }
0x8c: {  	s17 =	sshll.u32 s0, $0xA;
	s2 =	sadd.s32 s3, s2  }
0x8d: {  	s2 =	sadd.s32 s2, s17  }
0x8e: {  	[smem:$0x3FC4] =	sst s2  }
0x8f: {  	_ = 	snop  }
0x90: {  	s2 =	sld [smem:$0x3FD0];
	(tm) =	ssettm $0x1  }
0x91: {  	s18 =	sld [smem:$0x3FFB];
	_ =	sdelay $0x3  }
0x92: {  	_ =	strace s18  }
0x93: {  	s3 =	sld [smem:$0x3FFC];
	_ =	sdelay $0x3  }
0x94: {  	_ =	strace s3  }
0x95: {  	s3 =	sld [smem:$0x3FFD];
	_ =	sdelay $0x3  }
0x96: {  	_ =	strace s3  }
0x97: {  	_ =	strace $0x8FFFFFFF  }
0x98: {  	s19 =	sld [smem:$0x3FDB];
	_ =	sdelay $0x1  }
0x99: {  	s4 =	simm.s32 $_scs_section_size  }
0x9a: {  	s5 =	simm.s32 $_size__tile_overlayer_lowered;
	s6 =	simm.s32 $_tile_overlayer_lowered  }
0x9b: {  	s22 =	simm.s32 $0x1BFF;
	s21 =	sshll.u32 s6, $0x1;
	s3 =	sadd.s32 s4, s19  }
0x9c: {  	s7 =	simm.s32 $0x0;
	s20 =	sshll.u32 s5, $0x1;
	s5 =	sadd.s32 s21, s3  }
0x9d: {  	[timem:s7], [sflag:s22] =	dma.local [hbm:s5], s20  }
0x9e: {  	_ =	swait.ge [sflag:s22], s20  }
0x9f: {  	s4 =	ssub.s32 $0x0, s20;
	[sflag:s22] =	ssyncset.done $0x0  }
0xa0: {  	[sflag:s22] =	ssyncadd.s32 s4;
	_ =	sdelay $0x1  }
0xa1: {  	s23 =	simm.s32 $0x1B8B  }
0xa2: {  	_ =	swait.ge [sflag:s23], $0x1  }
0xa3: {  	[sflag:s23] =	ssyncset.done $0x0  }
0xa4: {  	s25 =	simm.s32 $0x1B8E;
	s24 =	sld [smem:$0x3FFE];
	[sflag:s23] =	ssyncadd.s32 $0xFFFFFFFF  }
0xa5: {  	s26 =	simm.s32 $execute0_lowered;
	[smem:$0x3FD2] =	sst s25  }
0xa6: {  	s5 =	sshll.u32 s26, $0x1;
	_ =	strace $0x80000049;
	[dreg:$0x1] =	wrdreg $0xFFFFFFFF  }
0xa7: {  	s28 =	simm.s32 $_size_execute0_lowered;
	s3 =	sadd.s32 s3, s5;
	[dreg:$0x0] =	wrdreg $0x0  }
0xa8: {  	s5 =	sshll.u32 s28, $0x1;
	[dreg:$0x2] =	wrdreg s3  }
0xa9: {  	[dreg:$0x3] =	wrdreg s5  }
0xaa: {  	[dreg:$0x4] =	wrdreg $0xC0  }
0xab: {  	_ =	task [dreg:s7], $0x5FFFF  }
0xac: {  	[dreg:$0x1] =	wrdreg $0xFFFFFFFF  }
0xad: {  	[dreg:$0x0] =	wrdreg $0x60  }
0xae: {  	[dreg:$0x2] =	wrdreg s2  }
0xaf: {  	[dreg:$0x3] =	wrdreg s24  }
0xb0: {  	[dreg:$0x4] =	wrdreg $0x82000  }
0xb1: {  	[dreg:$0x5] =	wrdreg $0x9  }
0xb2: {  	_ =	task.clear_ibuf [dreg:s7], $0x6FFFF;
	_ =	strace $0x90000049  }
0xb3: {  	s29 =	simm.s32 $0x9;
	_ =	strace $0x8000004B  }
0xb4: {  	_ =	swait.ge [sflag:s29], $0x1  }
0xb5: {  	[sflag:s29] =	ssyncadd.s32 $0xFFFFFFFF  }
0xb6: {  	_ =	strace $0x9000004B  }
0xb7: {  	_ =	sfence  }
0xb8: {  	s30 =	sld [smem:$0x0];
	_ =	sdelay $0x2  }
0xb9: {  	s31 =	sshll.u32 s1, $0xD;
	s1 =	sshrl.u32 s1, $0x2  }
0xba: {  	s3 =	sand.u32 $0x4000, s31;
	s1 =	sadd.s32 s1, s30  }
0xbb: {  	s0 =	sor.u32 s3, s0;
	s1 =	sshll.u32 s1, $0x11  }
0xbc: {  	s0 =	sor.u32 s1, s0  }
0xbd: {  	s0 =	sadd.s32 $0x8F2B, s0  }
0xbe: {  	[sflag:s0] =	ssyncadd.remote.s32 $0x1  }
0xbf: {  	_ =	sfence.sel $0xFFFF  }
0xc0: {  	[dreg:$0x0] =	wrdreg $0xFFFFFFFF;
	(pc) =	sbr.abs _section_cstart, $3  }
0xc1: {  	[dreg:$0x1] =	wrdreg $0xFFFFFFFF  }
0xc2: {  	_ =	task.clear_ibuf [dreg:s7], $0x2FFFF;
	_ =	strace $0x9FFFFFFF  }
0xc3: {  	(tm) =	ssettm $0x7FFFFFFF  }
tec
execute0_lowered:
.L_overlay_start_1:
0x0: {  	(tag) =	ssettag $0x1  }
0x1: {  	s1 =	rddreg [dreg:$0x0]  }
0x2: {  	s0 =	rddreg [dreg:$0x1]  }
0x3: {  	s2 =	rddreg [dreg:$0x2];
	s4 =	simm.s32 $0x0;
	s3 =	srdreg.scid  }
0x4: {  	s21 =	stileid.u32;
	s28 =	simm.s32 $0x1;
	s29 =	simm.s32 $0x4  }
0x5: {  	s30 =	simm.s32 $0x4200;
	s31 =	simm.s32 $0x2;
	[smem:$0x7FF] =	sst s4  }
0x6: {  	s3 =	sand.u32 $0x1, s3;
	s5 =	sadd.s32 $0x1C00, s0;
	s7 =	smul.u32 $0x4E000, s21  }
0x7: {  	s8 =	sadd.s32 $0xBA00, s0;
	s0 =	sadd.s32 $0x15800, s0;
	s16 =	smul.u32 $0x2700, s21  }
0x8: {  	s19 =	sshll.u32 s21, $0x6;
	s20 =	sshll.u32 s21, $0x4;
	s23 =	sadd.s32 $0x138000, s2  }
0x9: {  	s24 =	sadd.s32 $0x27000, s1;
	s26 =	smul.u32 $0x4E0, s21;
	p0 =	sne.s32 s21, $0xF  }
0xa: {  	_ =	strace $0x8000004A;
	s6 =	ssub.s32 $0x2, s3;
	[dreg:$0x6] =	wrdreg s23  }
0xb: {  	s10 =	sshll.u32 s3, $0x4;
	s11 =	sor.u32 $0x9C00, s20;
	[dreg:$0x7] =	wrdreg s24  }
0xc: {  	s17 =	smul.u32 $0x138800, s3;
	s23 =	simm.s32 $0x3;
	s24 =	simm.s32 $0x80  }
0xd: {  	s9 =	sshrl.u32 s6, $0x1;
	s7 =	sshrl.u32 s7, $0x2;
	s22 =	sor.u32 s21, s10  }
0xe: {  	s18 =	sadd.s32 s1, s16;
	s25 =	sadd.s32 s5, s11;
	s11 =	sadd.s32 s8, s11  }
0xf: {  	s21 =	simm.s32 $0x5;
	s6 =	ssub.s32 s6, s9;
	s14 =	smul.u32 $0x4E0, s22  }
0x10: {  	s7 =	sadd.s32 s7, s2;
	[dreg:$0x5] =	wrdreg s18;
	s18 =	smul.u32 $0x27100, s3  }
0x11: {  	[dreg:$0x8] =	wrdreg s25;
	s17 =	sshrl.u32 s17, $0x3;
	s3 =	smul.u32 $0x4E00, s3  }
0x12: {  	p1 =	sgt.u32 s22, $0x3;
	s22 =	simm.s32 $0x100;
	s25 =	simm.s32 $0x200  }
0x13: {  	[dreg:$0x4] =	wrdreg s7;
	s7 =	sor.u32 $0x1C05, s19;
	s17 =	sadd.s32 s0, s17  }
0x14: {  	s12 =	sadd.s32 s5, s14;
	s13 =	sadd.s32 s8, s14;
	s15 =	sor.u32 $0x10, s14  }
0x15: {  	s16 =	sadd.s32 s16, s18;
	s17 =	sadd.s32 $0x27000, s17;
	s18 =	smax.u32 s6, $0x1  }
0x16: {  	s14 =	sadd.s32 s5, s15;
	s15 =	sadd.s32 s8, s15;
	s16 =	sadd.s32 s0, s16  }
0x17: {  	s5 =	sadd.s32 s3, s5;
	s3 =	sadd.s32 s3, s8;
	s0 =	simm.s32 $0x0  }
0x18: {  	s19 =	sadd.s32 s26, s5;
	s20 =	sadd.s32 s26, s3;
	s26 =	simm.s32 $0x180  }
.LBB2_1:
0x19: {  	s3 =	rddreg [dreg:$0x4]  }
0x1a: {  	s5 =	rddreg [dreg:$0x5];
	s3 =	sshrl.u32 s3, $0x3  }
0x1b: {  	[spmem:s3], [sflag:s7] =	dma.local [hbm:s5], $0x2700  }
0x1c: {  	_ =	swait.ge [sflag:s21], $0x2700  }
0x1d: {  	[sflag:s21] =	ssyncset.done $0x0;
	s5 =	rddreg [dreg:$0x6]  }
0x1e: {  	s6 =	rddreg [dreg:$0x7];
	[sflag:s21] =	ssyncadd.s32 $0xFFFFD900;
	s5 =	sshrl.u32 @!p0 s5, $0x3  }
0x1f: {  	[spmem:s5], [sflag:s7] =	dma.local @!p0 [hbm:s6], $0x100  }
0x20: {  	s6 =	simm.s32 @!p0 $0x5  }
0x21: {  	_ =	swait.ge @!p0 [sflag:s6], $0x100  }
0x22: {  	[sflag:s6] =	ssyncset.done @!p0 $0x0  }
0x23: {  	[sflag:s6] =	ssyncadd.s32 @!p0 $0xFFFFFF00  }
0x24: {  	[bflag:$0x0] =	sbarrier.arrive $0xFFFF  }
0x25: {  	s6 =	simm.s32 @!p1 $0x0;
	s8 =	rddreg [dreg:$0x8]  }
0x26: {  	[tilespmem:s6], [sflag:$0x3] =	stream.linear.gather @!p1 [hbm4b:s8+s6], $0x80, $0x38;
	[tilespmem:$0x1BA80] =	vst v63  }
0x27: {  	s9 =	simm.s32 @!p1 $0x3;
	s8 =	simm.s32 @!p1 $0x100  }
0x28: {  	[tilespmem:s8], [sflag:$0x3] =	stream.linear.gather @!p1 [hbm4b:s11+s6], $0x80, $0x38;
	[tilespmem:$0x1BA80] =	vst v63  }
0x29: {  	_ =	swait.ge @!p1 [sflag:s9], $0x80  }
0x2a: {  	[sflag:s9] =	ssyncset.done @!p1 $0x0  }
0x2b: {  	[sflag:s9] =	ssyncadd.s32 @!p1 $0xFFFFFF80  }
0x2c: {  	_ =	swait.ge @!p1 [sflag:s9], $0x80  }
0x2d: {  	[sflag:s9] =	ssyncset.done @!p1 $0x0  }
0x2e: {  	s10 =	simm.s32 @!p1 $0x200;
	[sflag:s9] =	ssyncadd.s32 @!p1 $0xFFFFFF80;
	s9 =	simm.s32 @!p1 $0x80  }
0x2f: {  	[tilespmem:s10], [sflag:$0x5] =	stream.indirect.gather @!p1 [hbm4b:s1+s9], $0x80, s6, s9, $0xb8;
	[tilespmem:$0x1BA80] =	vst v63  }
0x30: {  	s6 =	simm.s32 @!p1 $0x5  }
0x31: {  	_ =	swait.ge @!p1 [sflag:s6], $0x4000  }
0x32: {  	[sflag:s6] =	ssyncset.done @!p1 $0x0  }
0x33: {  	[sflag:s6] =	ssyncadd.s32 @!p1 $0xFFFFC000  }
0x34: {  	[spmem:s2] =	stream.indirect.scatter.add.f32 @!p1 [tilespmem:s10], [sflag:$0x5], $0x80, s8, s9, $0xb8;
	[tilespmem:$0x1BA80] =	vst v63  }
0x35: {  	_ =	swait.ge @!p1 [sflag:s6], $0x4000  }
0x36: {  	[sflag:s6] =	ssyncset.done @!p1 $0x0  }
0x37: {  	[sflag:s6] =	ssyncadd.s32 @!p1 $0xFFFFC000  }
0x38: {  	[tilespmem:s4], [sflag:$0x3] =	stream.linear.gather [hbm4b:s12+s4], $0x80, $0x38;
	[tilespmem:$0x1BA80] =	vst v63  }
0x39: {  	_ = 	snop  }
0x3a: {  	[tilespmem:s22], [sflag:$0x3] =	stream.linear.gather [hbm4b:s13+s4], $0x80, $0x38;
	[tilespmem:$0x1BA80] =	vst v63  }
0x3b: {  	_ =	swait.ge [sflag:s23], $0x80  }
0x3c: {  	[sflag:s23] =	ssyncset.done $0x0  }
0x3d: {  	[sflag:s23] =	ssyncadd.s32 $0xFFFFFF80  }
0x3e: {  	_ =	swait.ge [sflag:s23], $0x80  }
0x3f: {  	[sflag:s23] =	ssyncset.done $0x0  }
0x40: {  	[sflag:s23] =	ssyncadd.s32 $0xFFFFFF80  }
0x41: {  	[tilespmem:s25], [sflag:$0x1] =	stream.indirect.gather [hbm4b:s1+s24], $0x80, s4, s24, $0xb8;
	[tilespmem:$0x1BA80] =	vst v63  }
0x42: {  	_ = 	snop  }
0x43: {  	[tilespmem:s24], [sflag:$0x4] =	stream.linear.gather [hbm4b:s14+s4], $0x80, $0x38;
	[tilespmem:$0x1BA80] =	vst v63  }
0x44: {  	_ = 	snop  }
0x45: {  	[tilespmem:s26], [sflag:$0x4] =	stream.linear.gather [hbm4b:s15+s4], $0x80, $0x38;
	[tilespmem:$0x1BA80] =	vst v63  }
0x46: {  	_ =	swait.ge [sflag:s28], $0x4000  }
0x47: {  	[sflag:s28] =	ssyncset.done $0x0  }
0x48: {  	[sflag:s28] =	ssyncadd.s32 $0xFFFFC000  }
0x49: {  	_ =	swait.ge [sflag:s29], $0x80  }
0x4a: {  	[sflag:s29] =	ssyncset.done $0x0  }
0x4b: {  	[sflag:s29] =	ssyncadd.s32 $0xFFFFFF80  }
0x4c: {  	_ =	swait.ge [sflag:s29], $0x80  }
0x4d: {  	[sflag:s29] =	ssyncset.done $0x0  }
0x4e: {  	[sflag:s29] =	ssyncadd.s32 $0xFFFFFF80  }
0x4f: {  	[tilespmem:s30], [sflag:$0x2] =	stream.indirect.gather [hbm4b:s1+s24], $0x80, s24, s24, $0xb8;
	[tilespmem:$0x1BA80] =	vst v63  }
0x50: {  	_ = 	snop  }
0x51: {  	[spmem:s2] =	stream.indirect.scatter.add.f32 [tilespmem:s25], [sflag:$0x5], $0x80, s22, s24, $0xb8;
	[tilespmem:$0x1BA80] =	vst v63  }
0x52: {  	_ =	swait.ge [sflag:s21], $0x4000  }
0x53: {  	s6 =	sadd.s32 $0x0, s19;
	[sflag:s21] =	ssyncset.done $0x0  }
0x54: {  	s9 =	sadd.s32 $0x0, s20;
	s10 =	sadd.s32 $0x20, s6;
	[sflag:s21] =	ssyncadd.s32 $0xFFFFC000  }
0x55: {  	[tilespmem:s4], [sflag:$0x3] =	stream.linear.gather [hbm4b:s10+s4], $0x80, $0x38;
	[tilespmem:$0x1BA80] =	vst v63  }
0x56: {  	s10 =	sadd.s32 $0x20, s9  }
0x57: {  	[tilespmem:s22], [sflag:$0x3] =	stream.linear.gather [hbm4b:s10+s4], $0x80, $0x38;
	[tilespmem:$0x1BA80] =	vst v63  }
0x58: {  	_ =	swait.ge [sflag:s31], $0x4000  }
0x59: {  	[sflag:s31] =	ssyncset.done $0x0  }
0x5a: {  	[sflag:s31] =	ssyncadd.s32 $0xFFFFC000  }
0x5b: {  	_ =	swait.ge [sflag:s23], $0x80  }
0x5c: {  	[sflag:s23] =	ssyncset.done $0x0  }
0x5d: {  	[sflag:s23] =	ssyncadd.s32 $0xFFFFFF80  }
0x5e: {  	_ =	swait.ge [sflag:s23], $0x80  }
0x5f: {  	[sflag:s23] =	ssyncset.done $0x0  }
0x60: {  	[sflag:s23] =	ssyncadd.s32 $0xFFFFFF80  }
0x61: {  	[tilespmem:s25], [sflag:$0x1] =	stream.indirect.gather [hbm4b:s1+s24], $0x80, s4, s24, $0xb8;
	[tilespmem:$0x1BA80] =	vst v63  }
0x62: {  	_ = 	snop  }
0x63: {  	[spmem:s2] =	stream.indirect.scatter.add.f32 [tilespmem:s30], [sflag:$0x5], $0x80, s26, s24, $0xb8;
	[tilespmem:$0x1BA80] =	vst v63  }
0x64: {  	_ =	swait.ge [sflag:s21], $0x4000  }
0x65: {  	[sflag:s21] =	ssyncset.done $0x0  }
0x66: {  	s6 =	sadd.s32 $0x30, s6;
	[sflag:s21] =	ssyncadd.s32 $0xFFFFC000  }
0x67: {  	[tilespmem:s24], [sflag:$0x4] =	stream.linear.gather [hbm4b:s6+s4], $0x80, $0x38;
	[tilespmem:$0x1BA80] =	vst v63  }
0x68: {  	s8 =	sadd.s32 $0x30, s9;
	s6 =	simm.s32 $0x20  }
.LBB2_2:
0x69: {  	[tilespmem:s26], [sflag:$0x4] =	stream.linear.gather [hbm4b:s8+s4], $0x80, $0x38;
	[tilespmem:$0x1BA80] =	vst v63  }
0x6a: {  	s8 =	smov.u32 s6  }
0x6b: {  	p2 =	sne.s32 s6, $0x4C0;
	s6 =	sadd.s32 $0x20, s6;
	_ =	swait.ge [sflag:s28], $0x4000  }
0x6c: {  	[sflag:s28] =	ssyncset.done $0x0  }
0x6d: {  	[sflag:s28] =	ssyncadd.s32 $0xFFFFC000  }
0x6e: {  	_ =	swait.ge [sflag:s29], $0x80  }
0x6f: {  	[sflag:s29] =	ssyncset.done $0x0  }
0x70: {  	[sflag:s29] =	ssyncadd.s32 $0xFFFFFF80  }
0x71: {  	_ =	swait.ge [sflag:s29], $0x80  }
0x72: {  	[sflag:s29] =	ssyncset.done $0x0  }
0x73: {  	[sflag:s29] =	ssyncadd.s32 $0xFFFFFF80  }
0x74: {  	[tilespmem:s30], [sflag:$0x2] =	stream.indirect.gather [hbm4b:s1+s24], $0x80, s24, s24, $0xb8;
	[tilespmem:$0x1BA80] =	vst v63  }
0x75: {  	_ = 	snop  }
0x76: {  	[spmem:s2] =	stream.indirect.scatter.add.f32 [tilespmem:s25], [sflag:$0x5], $0x80, s22, s24, $0xb8;
	[tilespmem:$0x1BA80] =	vst v63  }
0x77: {  	_ =	swait.ge [sflag:s21], $0x4000  }
0x78: {  	s9 =	sadd.s32 s8, s19;
	[sflag:s21] =	ssyncset.done $0x0  }
0x79: {  	s8 =	sadd.s32 s8, s20;
	s10 =	sadd.s32 $0x20, s9;
	[sflag:s21] =	ssyncadd.s32 $0xFFFFC000  }
0x7a: {  	[tilespmem:s4], [sflag:$0x3] =	stream.linear.gather [hbm4b:s10+s4], $0x80, $0x38;
	[tilespmem:$0x1BA80] =	vst v63  }
0x7b: {  	s10 =	sadd.s32 $0x20, s8  }
0x7c: {  	[tilespmem:s22], [sflag:$0x3] =	stream.linear.gather [hbm4b:s10+s4], $0x80, $0x38;
	[tilespmem:$0x1BA80] =	vst v63  }
0x7d: {  	_ =	swait.ge [sflag:s31], $0x4000  }
0x7e: {  	[sflag:s31] =	ssyncset.done $0x0  }
0x7f: {  	[sflag:s31] =	ssyncadd.s32 $0xFFFFC000  }
0x80: {  	_ =	swait.ge [sflag:s23], $0x80  }
0x81: {  	[sflag:s23] =	ssyncset.done $0x0  }
0x82: {  	[sflag:s23] =	ssyncadd.s32 $0xFFFFFF80  }
0x83: {  	_ =	swait.ge [sflag:s23], $0x80  }
0x84: {  	[sflag:s23] =	ssyncset.done $0x0  }
0x85: {  	[sflag:s23] =	ssyncadd.s32 $0xFFFFFF80  }
0x86: {  	[tilespmem:s25], [sflag:$0x1] =	stream.indirect.gather [hbm4b:s1+s24], $0x80, s4, s24, $0xb8;
	[tilespmem:$0x1BA80] =	vst v63  }
0x87: {  	_ = 	snop  }
0x88: {  	[spmem:s2] =	stream.indirect.scatter.add.f32 [tilespmem:s30], [sflag:$0x5], $0x80, s26, s24, $0xb8;
	[tilespmem:$0x1BA80] =	vst v63  }
.Ltmp0:
0x89: {  	_ =	swait.ge [sflag:s21], $0x4000;
	(pc) =	sbr.rel @p2 .LBB2_2-.Ltmp0, $4  }
0x8a: {  	[sflag:s21] =	ssyncset.done $0x0  }
0x8b: {  	s9 =	sadd.s32 $0x30, s9;
	[sflag:s21] =	ssyncadd.s32 $0xFFFFC000  }
0x8c: {  	[tilespmem:s24], [sflag:$0x4] =	stream.linear.gather [hbm4b:s9+s4], $0x80, $0x38;
	[tilespmem:$0x1BA80] =	vst v63  }
0x8d: {  	s8 =	sadd.s32 $0x30, s8  }
0x8e: {  	[tilespmem:s26], [sflag:$0x4] =	stream.linear.gather [hbm4b:s8+s4], $0x80, $0x38;
	[tilespmem:$0x1BA80] =	vst v63  }
0x8f: {  	_ =	swait.ge [sflag:s28], $0x4000  }
0x90: {  	[sflag:s28] =	ssyncset.done $0x0  }
0x91: {  	[sflag:s28] =	ssyncadd.s32 $0xFFFFC000  }
0x92: {  	_ =	swait.ge [sflag:s29], $0x80  }
0x93: {  	[sflag:s29] =	ssyncset.done $0x0  }
0x94: {  	[sflag:s29] =	ssyncadd.s32 $0xFFFFFF80  }
0x95: {  	_ =	swait.ge [sflag:s29], $0x80  }
0x96: {  	[sflag:s29] =	ssyncset.done $0x0  }
0x97: {  	[sflag:s29] =	ssyncadd.s32 $0xFFFFFF80  }
0x98: {  	[bflag:$0x0] =	sbarrier.arrive $0xFFFF  }
0x99: {  	[hbm:s16], [sflag:s7] =	dma.local [spmem:s3], $0x2700  }
0x9a: {  	s0 =	sadd.s32 $0x1, s0;
	_ =	swait.ge [sflag:s21], $0x2700  }
0x9b: {  	p2 =	sne.s32 s0, s18;
	[sflag:s21] =	ssyncset.done $0x0  }
.Ltmp1:
0x9c: {  	s3 =	simm.s32 @!p0 $0x5;
	[sflag:s21] =	ssyncadd.s32 $0xFFFFD900;
	(pc) =	sbr.rel @p2 .LBB2_1-.Ltmp1, $4  }
0x9d: {  	[hbm:s17], [sflag:s7] =	dma.local @!p0 [spmem:s5], $0x100  }
0x9e: {  	_ =	swait.ge @!p0 [sflag:s3], $0x100  }
0x9f: {  	[sflag:s3] =	ssyncset.done @!p0 $0x0  }
0xa0: {  	[sflag:s3] =	ssyncadd.s32 @!p0 $0xFFFFFF00  }
0xa1: {  	_ =	sfence.sel $0x180000  }
0xa2: {  	[bflag:$0x0] =	sbarrier.arrive $0xFFFF  }
0xa3: {  	_ =	strace $0x9000004A  }
0xa4: {  	s0 =	stileid.u32;
	[bflag:$0x2] =	sbarrier.arrive $0xFFFF  }
0xa5: {  	p0 =	sne.s32 s0, $0x0;
	s0 =	rddreg [dreg:$0x3]  }
0xa6: {  	s0 =	sadd.s32 @!p0 $0x100000, s0  }
0xa7: {  	[sflag:s0] =	ssyncadd.tile.s32 @!p0 $0x1;
	_ =	shalt  }
.Lfunc_end2:
_tile_overlayer_lowered:
.L_overlay_start_2:
0xa8: {  	(tag) =	ssettag $0x2  }
0xa9: {  	s0 =	rddreg [dreg:$0x0];
	s2 =	stileid.u32  }
0xaa: {  	s1 =	rddreg [dreg:$0x1];
	p0 =	sne.s32 s2, $0x0  }
0xab: {  	s3 =	rddreg [dreg:$0x2];
	[bflag:$0x3] =	sbarrier.arrive $0xFFFF;
	s2 =	simm.s32 @!p0 $0x1C05  }
0xac: {  	[timem:s3], [sflag:s2] =	dma.local @!p0 [hbm:s0], s1  }
0xad: {  	s0 =	simm.s32 @!p0 $0x5  }
0xae: {  	_ =	swait.ge @!p0 [sflag:s0], s1  }
0xaf: {  	s1 =	ssub.s32 @!p0 $0x0, s1;
	[sflag:s0] =	ssyncset.done @!p0 $0x0  }
0xb0: {  	[sflag:s0] =	ssyncadd.s32 @!p0 s1  }
0xb1: {  	[bflag:$0x3] =	sbarrier.arrive $0xFFFF  }
0xb2: {  	_ =	shalt  }

// kernel: kernel.15.cloned.1.call-start
scs
__scs_entry_jumppad:
0x0: {  	(pc) =	sbr.rel $0x88, $3  }
0x1: {  	(tag) =	ssettag $0x0;
	lr =	simm.s32 $0x1  }
0x2: {  	[smem:$0x3F9D] =	sst lr;
	_ =	strace $0xD0000000  }
0x3: {  	_ = 	snop  }
0x4: {  	_ = 	snop  }
0x5: {  	_ = 	snop  }
0x6: {  	_ = 	snop  }
0x7: {  	_ = 	snop  }
__scs_overlays_trampoline_lowered:
0x8: {  	[smem:$0x3FAC] =	sst s0  }
0x9: {  	[smem:$0x3FAD] =	sst s1  }
0xa: {  	[smem:$0x3FAE] =	sst s2  }
0xb: {  	[smem:$0x3FAF] =	sst s3  }
0xc: {  	[smem:$0x3FB0] =	sst s4  }
0xd: {  	[smem:$0x3FB1] =	sst s5  }
0xe: {  	[smem:$0x3FB2] =	sst s6  }
0xf: {  	[smem:$0x3FB3] =	sst s7  }
0x10: {  	[smem:$0x3FB4] =	sst s8  }
0x11: {  	[smem:$0x3FB5] =	sst s9;
	s0 =	simm.s32 @!p0 $0x0  }
0x12: {  	s1 =	sld [smem:$0x3F9B];
	s0 =	simm.s32 @p0 $0x1  }
0x13: {  	[smem:$0x3FB6] =	sst s0;
	s0 =	simm.s32 @!p1 $0x0  }
0x14: {  	s2 =	sld [smem:$0x3F9A];
	s0 =	simm.s32 @p1 $0x1  }
0x15: {  	[smem:$0x3FB7] =	sst s0;
	s0 =	simm.s32 @!p2 $0x0  }
0x16: {  	s3 =	sld [smem:$0x3FDB];
	s0 =	simm.s32 @p2 $0x1  }
0x17: {  	s4 =	simm.s32 $0x1BF5;
	[smem:$0x3FB9] =	sst s0  }
0x18: {  	s0 =	sld [smem:$0x3F9C];
	_ =	swait.ge [sflag:s4], $0x0  }
0x19: {  	s7 =	sld [smem:$0x3F9D]  }
0x1a: {  	s8 =	sadd.s32 $0xFFFFE003, lr  }
0x1b: {  	s9 =	sadd.s32 $0xFFFFFEF7, lr;
	s5 =	simm.s32 $0xFFFFFFFF;
	p2 =	slt.u32 s8, $0xFFFFF086  }
0x1c: {  	p1 =	slt.u32 s9, $0xF7A;
	s5 =	simm.s32 @!p2 $0x0  }
0x1d: {  	s5 =	simm.s32 @p1 $0x1;
	p0 =	seq.s32 s7, s2  }
0x1e: {  	s7 =	smul.u32 @!p0 $0xF7A, s2;
	p2 =	seq.s32 @!p0 s5, $0x0  }
0x1f: {  	s9 =	smul.u32 $0xF7A, s1;
	s8 =	simm.s32 @!p0 $0x1BF5;
	p2 =	por !p2, p0  }
0x20: {  	[sflag:s8] =	ssyncset.s32 @!p0 $0xFFFFF086;
	s6 =	sadd.s32 @!p0 s3, s7;
	s7 =	simm.s32 @!p0 $0x108  }
0x21: {  	s3 =	sadd.s32 s3, s9;
	s6 =	sadd.s32 @!p0 $0x88, s6;
	s7 =	simm.s32 @p2 $0x1082  }
0x22: {  	[simem:s7], [sflag:s8] =	dma.local @!p0 [hbm:s6], $0xF7A  }
0x23: {  	s9 =	sor.u32 $0xD0000000, s2;
	s6 =	simm.s32 $0x108;
	_ =	swait.ge @!p0 [sflag:s8], $0x0  }
0x24: {  	s3 =	sadd.s32 $0x88, s3;
	s6 =	simm.s32 @!p1 $0x1082;
	[sflag:s4] =	ssyncset.s32 $0xFFFFF086  }
0x25: {  	[simem:s6], [sflag:s4] =	dma.local [hbm:s3], $0xF7A  }
0x26: {  	[smem:$0x3F9D] =	sst s1;
	(tag) =	ssettag s2;
	_ =	strace s9  }
0x27: {  	s1 =	sld [smem:$0x3FAD]  }
0x28: {  	s2 =	sld [smem:$0x3FAE]  }
0x29: {  	s4 =	sld [smem:$0x3FB0]  }
0x2a: {  	p0 =	seq.s32 s5, $0x0;
	s5 =	sld [smem:$0x3FB1]  }
0x2b: {  	s6 =	sld [smem:$0x3FB2]  }
0x2c: {  	s7 =	sld [smem:$0x3FB3]  }
0x2d: {  	s3 =	simm.s32 $0x108;
	s8 =	sld [smem:$0x3FB4]  }
0x2e: {  	s3 =	simm.s32 @!p0 $0x1082;
	s9 =	sld [smem:$0x3FB5]  }
0x2f: {  	lr =	sadd.s32 s0, s3;
	s0 =	sld [smem:$0x3FAC]  }
0x30: {  	s3 =	sld [smem:$0x3FAF]  }
0x31: {  	[smem:$0x3FB8] =	sst s10  }
0x32: {  	s10 =	sld [smem:$0x3FB6];
	_ =	sdelay $0x3  }
0x33: {  	p0 =	seq.s32 s10, $0x1;
	s10 =	sld [smem:$0x3FB8];
	_ =	sdelay $0x3  }
0x34: {  	[smem:$0x3FB8] =	sst s10  }
0x35: {  	s10 =	sld [smem:$0x3FB7];
	_ =	sdelay $0x3  }
0x36: {  	p1 =	seq.s32 s10, $0x1;
	s10 =	sld [smem:$0x3FB8];
	_ =	sdelay $0x3  }
0x37: {  	[smem:$0x3FB8] =	sst s10  }
0x38: {  	s10 =	sld [smem:$0x3FB9]  }
0x39: {  	_ = 	snop;
	(pc) =	sbr.ind lr, $3  }
0x3a: {  	_ = 	snop  }
0x3b: {  	_ = 	snop  }
0x3c: {  	p2 =	seq.s32 s10, $0x1;
	s10 =	sld [smem:$0x3FB8]  }
0x3d: {  	_ =	shalt  }
0x3e: {  	_ =	shalt  }
0x3f: {  	_ =	shalt  }
0x40: {  	_ =	shalt  }
0x41: {  	_ =	shalt  }
0x42: {  	_ =	shalt  }
0x43: {  	_ =	shalt  }
0x44: {  	_ =	shalt  }
0x45: {  	_ =	shalt  }
0x46: {  	_ =	shalt  }
0x47: {  	_ =	shalt  }
0x48: {  	_ =	shalt  }
0x49: {  	_ =	shalt  }
0x4a: {  	_ =	shalt  }
0x4b: {  	_ =	shalt  }
0x4c: {  	_ =	shalt  }
0x4d: {  	_ =	shalt  }
0x4e: {  	_ =	shalt  }
0x4f: {  	_ =	shalt  }
0x50: {  	_ =	shalt  }
0x51: {  	_ =	shalt  }
0x52: {  	_ =	shalt  }
0x53: {  	_ =	shalt  }
0x54: {  	_ =	shalt  }
0x55: {  	_ =	shalt  }
0x56: {  	_ =	shalt  }
0x57: {  	_ =	shalt  }
0x58: {  	_ =	shalt  }
0x59: {  	_ =	shalt  }
0x5a: {  	_ =	shalt  }
0x5b: {  	_ =	shalt  }
0x5c: {  	_ =	shalt  }
0x5d: {  	_ =	shalt  }
0x5e: {  	_ =	shalt  }
0x5f: {  	_ =	shalt  }
0x60: {  	_ =	shalt  }
0x61: {  	_ =	shalt  }
0x62: {  	_ =	shalt  }
0x63: {  	_ =	shalt  }
0x64: {  	_ =	shalt  }
0x65: {  	_ =	shalt  }
0x66: {  	_ =	shalt  }
0x67: {  	_ =	shalt  }
0x68: {  	_ =	shalt  }
0x69: {  	_ =	shalt  }
0x6a: {  	_ =	shalt  }
0x6b: {  	_ =	shalt  }
0x6c: {  	_ =	shalt  }
0x6d: {  	_ =	shalt  }
0x6e: {  	_ =	shalt  }
0x6f: {  	_ =	shalt  }
0x70: {  	_ =	shalt  }
0x71: {  	_ =	shalt  }
0x72: {  	_ =	shalt  }
0x73: {  	_ =	shalt  }
0x74: {  	_ =	shalt  }
0x75: {  	_ =	shalt  }
0x76: {  	_ =	shalt  }
0x77: {  	_ =	shalt  }
0x78: {  	_ =	shalt  }
0x79: {  	_ =	shalt  }
0x7a: {  	_ =	shalt  }
0x7b: {  	_ =	shalt  }
0x7c: {  	_ =	shalt  }
0x7d: {  	_ =	shalt  }
0x7e: {  	_ =	shalt  }
0x7f: {  	_ =	shalt  }
0x80: {  	_ =	shalt  }
0x81: {  	_ =	shalt  }
0x82: {  	_ =	shalt  }
0x83: {  	_ =	shalt  }
0x84: {  	_ =	shalt  }
0x85: {  	_ =	shalt  }
0x86: {  	_ =	shalt  }
0x87: {  	_ =	shalt  }
.Lfunc_end0:
.L_simem_size_0:
called_computation.2_lowered:
.L_overlay_start_0:
0x88: {  	s2 =	sld [smem:$0x3FD9]  }
0x89: {  	s3 =	sld [smem:$0x3FFE];
	_ =	sdelay $0x1  }
0x8a: {  	s1 =	srdreg.scid  }
0x8b: {  	s0 =	sand.u32 $0x1, s1  }
0x8c: {  	s17 =	sshll.u32 s0, $0xA;
	s2 =	sadd.s32 s3, s2  }
0x8d: {  	s2 =	sadd.s32 s2, s17  }
0x8e: {  	[smem:$0x3FC4] =	sst s2  }
0x8f: {  	_ = 	snop  }
0x90: {  	s2 =	sld [smem:$0x3FD0];
	(tm) =	ssettm $0x1  }
0x91: {  	s18 =	sld [smem:$0x3FFB];
	_ =	sdelay $0x3  }
0x92: {  	_ =	strace s18  }
0x93: {  	s3 =	sld [smem:$0x3FFC];
	_ =	sdelay $0x3  }
0x94: {  	_ =	strace s3  }
0x95: {  	s3 =	sld [smem:$0x3FFD];
	_ =	sdelay $0x3  }
0x96: {  	_ =	strace s3  }
0x97: {  	_ =	strace $0x8FFFFFFF  }
0x98: {  	s19 =	sld [smem:$0x3FDB];
	_ =	sdelay $0x1  }
0x99: {  	s4 =	simm.s32 $_scs_section_size  }
0x9a: {  	s5 =	simm.s32 $_size__tile_overlayer_lowered;
	s6 =	simm.s32 $_tile_overlayer_lowered  }
0x9b: {  	s22 =	simm.s32 $0x1BFF;
	s21 =	sshll.u32 s6, $0x1;
	s3 =	sadd.s32 s4, s19  }
0x9c: {  	s7 =	simm.s32 $0x0;
	s20 =	sshll.u32 s5, $0x1;
	s5 =	sadd.s32 s21, s3  }
0x9d: {  	[timem:s7], [sflag:s22] =	dma.local [hbm:s5], s20  }
0x9e: {  	_ =	swait.ge [sflag:s22], s20  }
0x9f: {  	s4 =	ssub.s32 $0x0, s20;
	[sflag:s22] =	ssyncset.done $0x0  }
0xa0: {  	[sflag:s22] =	ssyncadd.s32 s4;
	_ =	sdelay $0x1  }
0xa1: {  	s23 =	simm.s32 $0x1B8B  }
0xa2: {  	_ =	swait.ge [sflag:s23], $0x1  }
0xa3: {  	[sflag:s23] =	ssyncset.done $0x0  }
0xa4: {  	s25 =	simm.s32 $0x1B8E;
	s24 =	sld [smem:$0x3FFE];
	[sflag:s23] =	ssyncadd.s32 $0xFFFFFFFF  }
0xa5: {  	s26 =	simm.s32 $execute0_lowered;
	[smem:$0x3FD2] =	sst s25  }
0xa6: {  	s5 =	sshll.u32 s26, $0x1;
	_ =	strace $0x8000004C;
	[dreg:$0x1] =	wrdreg $0xFFFFFFFF  }
0xa7: {  	s28 =	simm.s32 $_size_execute0_lowered;
	s3 =	sadd.s32 s3, s5;
	[dreg:$0x0] =	wrdreg $0x0  }
0xa8: {  	s5 =	sshll.u32 s28, $0x1;
	[dreg:$0x2] =	wrdreg s3  }
0xa9: {  	[dreg:$0x3] =	wrdreg s5  }
0xaa: {  	[dreg:$0x4] =	wrdreg $0xC0  }
0xab: {  	_ =	task [dreg:s7], $0x5FFFF  }
0xac: {  	[dreg:$0x1] =	wrdreg $0xFFFFFFFF  }
0xad: {  	[dreg:$0x0] =	wrdreg $0x60  }
0xae: {  	[dreg:$0x2] =	wrdreg s2  }
0xaf: {  	[dreg:$0x3] =	wrdreg s24  }
0xb0: {  	[dreg:$0x4] =	wrdreg $0x82000  }
0xb1: {  	[dreg:$0x5] =	wrdreg $0x9  }
0xb2: {  	_ =	task.clear_ibuf [dreg:s7], $0x6FFFF;
	_ =	strace $0x9000004C  }
0xb3: {  	s29 =	simm.s32 $0x9;
	_ =	strace $0x8000004E  }
0xb4: {  	_ =	swait.ge [sflag:s29], $0x1  }
0xb5: {  	[sflag:s29] =	ssyncadd.s32 $0xFFFFFFFF  }
0xb6: {  	_ =	strace $0x9000004E  }
0xb7: {  	_ =	sfence  }
0xb8: {  	s30 =	sld [smem:$0x0];
	_ =	sdelay $0x2  }
0xb9: {  	s31 =	sshll.u32 s1, $0xD;
	s1 =	sshrl.u32 s1, $0x2  }
0xba: {  	s3 =	sand.u32 $0x4000, s31;
	s1 =	sadd.s32 s1, s30  }
0xbb: {  	s0 =	sor.u32 s3, s0;
	s1 =	sshll.u32 s1, $0x11  }
0xbc: {  	s0 =	sor.u32 s1, s0  }
0xbd: {  	s0 =	sadd.s32 $0x8F2B, s0  }
0xbe: {  	[sflag:s0] =	ssyncadd.remote.s32 $0x1  }
0xbf: {  	_ =	sfence.sel $0xFFFF  }
0xc0: {  	[dreg:$0x0] =	wrdreg $0xFFFFFFFF;
	(pc) =	sbr.abs _section_cstart, $3  }
0xc1: {  	[dreg:$0x1] =	wrdreg $0xFFFFFFFF  }
0xc2: {  	_ =	task.clear_ibuf [dreg:s7], $0x2FFFF;
	_ =	strace $0x9FFFFFFF  }
0xc3: {  	(tm) =	ssettm $0x7FFFFFFF  }
tec
execute0_lowered:
.L_overlay_start_1:
0x0: {  	(tag) =	ssettag $0x1  }
0x1: {  	s1 =	rddreg [dreg:$0x0]  }
0x2: {  	s0 =	rddreg [dreg:$0x1]  }
0x3: {  	s2 =	rddreg [dreg:$0x2];
	s4 =	simm.s32 $0x0;
	s3 =	srdreg.scid  }
0x4: {  	s21 =	stileid.u32;
	s28 =	simm.s32 $0x1;
	s29 =	simm.s32 $0x4  }
0x5: {  	s30 =	simm.s32 $0x4200;
	s31 =	simm.s32 $0x2;
	[smem:$0x7FF] =	sst s4  }
0x6: {  	s3 =	sand.u32 $0x1, s3;
	s5 =	sadd.s32 $0x1C00, s0;
	s7 =	smul.u32 $0x4E000, s21  }
0x7: {  	s8 =	sadd.s32 $0xBA00, s0;
	s0 =	sadd.s32 $0x15800, s0;
	s16 =	smul.u32 $0x2700, s21  }
0x8: {  	s19 =	sshll.u32 s21, $0x6;
	s20 =	sshll.u32 s21, $0x4;
	s23 =	sadd.s32 $0x138000, s2  }
0x9: {  	s24 =	sadd.s32 $0x27000, s1;
	s26 =	smul.u32 $0x4E0, s21;
	p0 =	sne.s32 s21, $0xF  }
0xa: {  	_ =	strace $0x8000004D;
	s6 =	ssub.s32 $0x2, s3;
	[dreg:$0x6] =	wrdreg s23  }
0xb: {  	s10 =	sshll.u32 s3, $0x4;
	s11 =	sor.u32 $0x9C00, s20;
	[dreg:$0x7] =	wrdreg s24  }
0xc: {  	s17 =	smul.u32 $0x138800, s3;
	s23 =	simm.s32 $0x3;
	s24 =	simm.s32 $0x80  }
0xd: {  	s9 =	sshrl.u32 s6, $0x1;
	s7 =	sshrl.u32 s7, $0x2;
	s22 =	sor.u32 s21, s10  }
0xe: {  	s18 =	sadd.s32 s1, s16;
	s25 =	sadd.s32 s5, s11;
	s11 =	sadd.s32 s8, s11  }
0xf: {  	s21 =	simm.s32 $0x5;
	s6 =	ssub.s32 s6, s9;
	s14 =	smul.u32 $0x4E0, s22  }
0x10: {  	s7 =	sadd.s32 s7, s2;
	[dreg:$0x5] =	wrdreg s18;
	s18 =	smul.u32 $0x27100, s3  }
0x11: {  	[dreg:$0x8] =	wrdreg s25;
	s17 =	sshrl.u32 s17, $0x3;
	s3 =	smul.u32 $0x4E00, s3  }
0x12: {  	p1 =	sgt.u32 s22, $0x3;
	s22 =	simm.s32 $0x100;
	s25 =	simm.s32 $0x200  }
0x13: {  	[dreg:$0x4] =	wrdreg s7;
	s7 =	sor.u32 $0x1C05, s19;
	s17 =	sadd.s32 s0, s17  }
0x14: {  	s12 =	sadd.s32 s5, s14;
	s13 =	sadd.s32 s8, s14;
	s15 =	sor.u32 $0x10, s14  }
0x15: {  	s16 =	sadd.s32 s16, s18;
	s17 =	sadd.s32 $0x27000, s17;
	s18 =	smax.u32 s6, $0x1  }
0x16: {  	s14 =	sadd.s32 s5, s15;
	s15 =	sadd.s32 s8, s15;
	s16 =	sadd.s32 s0, s16  }
0x17: {  	s5 =	sadd.s32 s3, s5;
	s3 =	sadd.s32 s3, s8;
	s0 =	simm.s32 $0x0  }
0x18: {  	s19 =	sadd.s32 s26, s5;
	s20 =	sadd.s32 s26, s3;
	s26 =	simm.s32 $0x180  }
.LBB2_1:
0x19: {  	s3 =	rddreg [dreg:$0x4]  }
0x1a: {  	s5 =	rddreg [dreg:$0x5];
	s3 =	sshrl.u32 s3, $0x3  }
0x1b: {  	[spmem:s3], [sflag:s7] =	dma.local [hbm:s5], $0x2700  }
0x1c: {  	_ =	swait.ge [sflag:s21], $0x2700  }
0x1d: {  	[sflag:s21] =	ssyncset.done $0x0;
	s5 =	rddreg [dreg:$0x6]  }
0x1e: {  	s6 =	rddreg [dreg:$0x7];
	[sflag:s21] =	ssyncadd.s32 $0xFFFFD900;
	s5 =	sshrl.u32 @!p0 s5, $0x3  }
0x1f: {  	[spmem:s5], [sflag:s7] =	dma.local @!p0 [hbm:s6], $0x100  }
0x20: {  	s6 =	simm.s32 @!p0 $0x5  }
0x21: {  	_ =	swait.ge @!p0 [sflag:s6], $0x100  }
0x22: {  	[sflag:s6] =	ssyncset.done @!p0 $0x0  }
0x23: {  	[sflag:s6] =	ssyncadd.s32 @!p0 $0xFFFFFF00  }
0x24: {  	[bflag:$0x0] =	sbarrier.arrive $0xFFFF  }
0x25: {  	s6 =	simm.s32 @!p1 $0x0;
	s8 =	rddreg [dreg:$0x8]  }
0x26: {  	[tilespmem:s6], [sflag:$0x3] =	stream.linear.gather @!p1 [hbm4b:s8+s6], $0x80, $0x38;
	[tilespmem:$0x1BA80] =	vst v63  }
0x27: {  	s9 =	simm.s32 @!p1 $0x3;
	s8 =	simm.s32 @!p1 $0x100  }
0x28: {  	[tilespmem:s8], [sflag:$0x3] =	stream.linear.gather @!p1 [hbm4b:s11+s6], $0x80, $0x38;
	[tilespmem:$0x1BA80] =	vst v63  }
0x29: {  	_ =	swait.ge @!p1 [sflag:s9], $0x80  }
0x2a: {  	[sflag:s9] =	ssyncset.done @!p1 $0x0  }
0x2b: {  	[sflag:s9] =	ssyncadd.s32 @!p1 $0xFFFFFF80  }
0x2c: {  	_ =	swait.ge @!p1 [sflag:s9], $0x80  }
0x2d: {  	[sflag:s9] =	ssyncset.done @!p1 $0x0  }
0x2e: {  	s10 =	simm.s32 @!p1 $0x200;
	[sflag:s9] =	ssyncadd.s32 @!p1 $0xFFFFFF80;
	s9 =	simm.s32 @!p1 $0x80  }
0x2f: {  	[tilespmem:s10], [sflag:$0x5] =	stream.indirect.gather @!p1 [hbm4b:s1+s9], $0x80, s6, s9, $0xb8;
	[tilespmem:$0x1BA80] =	vst v63  }
0x30: {  	s6 =	simm.s32 @!p1 $0x5  }
0x31: {  	_ =	swait.ge @!p1 [sflag:s6], $0x4000  }
0x32: {  	[sflag:s6] =	ssyncset.done @!p1 $0x0  }
0x33: {  	[sflag:s6] =	ssyncadd.s32 @!p1 $0xFFFFC000  }
0x34: {  	[spmem:s2] =	stream.indirect.scatter.add.f32 @!p1 [tilespmem:s10], [sflag:$0x5], $0x80, s8, s9, $0xb8;
	[tilespmem:$0x1BA80] =	vst v63  }
0x35: {  	_ =	swait.ge @!p1 [sflag:s6], $0x4000  }
0x36: {  	[sflag:s6] =	ssyncset.done @!p1 $0x0  }
0x37: {  	[sflag:s6] =	ssyncadd.s32 @!p1 $0xFFFFC000  }
0x38: {  	[tilespmem:s4], [sflag:$0x3] =	stream.linear.gather [hbm4b:s12+s4], $0x80, $0x38;
	[tilespmem:$0x1BA80] =	vst v63  }
0x39: {  	_ = 	snop  }
0x3a: {  	[tilespmem:s22], [sflag:$0x3] =	stream.linear.gather [hbm4b:s13+s4], $0x80, $0x38;
	[tilespmem:$0x1BA80] =	vst v63  }
0x3b: {  	_ =	swait.ge [sflag:s23], $0x80  }
0x3c: {  	[sflag:s23] =	ssyncset.done $0x0  }
0x3d: {  	[sflag:s23] =	ssyncadd.s32 $0xFFFFFF80  }
0x3e: {  	_ =	swait.ge [sflag:s23], $0x80  }
0x3f: {  	[sflag:s23] =	ssyncset.done $0x0  }
0x40: {  	[sflag:s23] =	ssyncadd.s32 $0xFFFFFF80  }
0x41: {  	[tilespmem:s25], [sflag:$0x1] =	stream.indirect.gather [hbm4b:s1+s24], $0x80, s4, s24, $0xb8;
	[tilespmem:$0x1BA80] =	vst v63  }
0x42: {  	_ = 	snop  }
0x43: {  	[tilespmem:s24], [sflag:$0x4] =	stream.linear.gather [hbm4b:s14+s4], $0x80, $0x38;
	[tilespmem:$0x1BA80] =	vst v63  }
0x44: {  	_ = 	snop  }
0x45: {  	[tilespmem:s26], [sflag:$0x4] =	stream.linear.gather [hbm4b:s15+s4], $0x80, $0x38;
	[tilespmem:$0x1BA80] =	vst v63  }
0x46: {  	_ =	swait.ge [sflag:s28], $0x4000  }
0x47: {  	[sflag:s28] =	ssyncset.done $0x0  }
0x48: {  	[sflag:s28] =	ssyncadd.s32 $0xFFFFC000  }
0x49: {  	_ =	swait.ge [sflag:s29], $0x80  }
0x4a: {  	[sflag:s29] =	ssyncset.done $0x0  }
0x4b: {  	[sflag:s29] =	ssyncadd.s32 $0xFFFFFF80  }
0x4c: {  	_ =	swait.ge [sflag:s29], $0x80  }
0x4d: {  	[sflag:s29] =	ssyncset.done $0x0  }
0x4e: {  	[sflag:s29] =	ssyncadd.s32 $0xFFFFFF80  }
0x4f: {  	[tilespmem:s30], [sflag:$0x2] =	stream.indirect.gather [hbm4b:s1+s24], $0x80, s24, s24, $0xb8;
	[tilespmem:$0x1BA80] =	vst v63  }
0x50: {  	_ = 	snop  }
0x51: {  	[spmem:s2] =	stream.indirect.scatter.add.f32 [tilespmem:s25], [sflag:$0x5], $0x80, s22, s24, $0xb8;
	[tilespmem:$0x1BA80] =	vst v63  }
0x52: {  	_ =	swait.ge [sflag:s21], $0x4000  }
0x53: {  	s6 =	sadd.s32 $0x0, s19;
	[sflag:s21] =	ssyncset.done $0x0  }
0x54: {  	s9 =	sadd.s32 $0x0, s20;
	s10 =	sadd.s32 $0x20, s6;
	[sflag:s21] =	ssyncadd.s32 $0xFFFFC000  }
0x55: {  	[tilespmem:s4], [sflag:$0x3] =	stream.linear.gather [hbm4b:s10+s4], $0x80, $0x38;
	[tilespmem:$0x1BA80] =	vst v63  }
0x56: {  	s10 =	sadd.s32 $0x20, s9  }
0x57: {  	[tilespmem:s22], [sflag:$0x3] =	stream.linear.gather [hbm4b:s10+s4], $0x80, $0x38;
	[tilespmem:$0x1BA80] =	vst v63  }
0x58: {  	_ =	swait.ge [sflag:s31], $0x4000  }
0x59: {  	[sflag:s31] =	ssyncset.done $0x0  }
0x5a: {  	[sflag:s31] =	ssyncadd.s32 $0xFFFFC000  }
0x5b: {  	_ =	swait.ge [sflag:s23], $0x80  }
0x5c: {  	[sflag:s23] =	ssyncset.done $0x0  }
0x5d: {  	[sflag:s23] =	ssyncadd.s32 $0xFFFFFF80  }
0x5e: {  	_ =	swait.ge [sflag:s23], $0x80  }
0x5f: {  	[sflag:s23] =	ssyncset.done $0x0  }
0x60: {  	[sflag:s23] =	ssyncadd.s32 $0xFFFFFF80  }
0x61: {  	[tilespmem:s25], [sflag:$0x1] =	stream.indirect.gather [hbm4b:s1+s24], $0x80, s4, s24, $0xb8;
	[tilespmem:$0x1BA80] =	vst v63  }
0x62: {  	_ = 	snop  }
0x63: {  	[spmem:s2] =	stream.indirect.scatter.add.f32 [tilespmem:s30], [sflag:$0x5], $0x80, s26, s24, $0xb8;
	[tilespmem:$0x1BA80] =	vst v63  }
0x64: {  	_ =	swait.ge [sflag:s21], $0x4000  }
0x65: {  	[sflag:s21] =	ssyncset.done $0x0  }
0x66: {  	s6 =	sadd.s32 $0x30, s6;
	[sflag:s21] =	ssyncadd.s32 $0xFFFFC000  }
0x67: {  	[tilespmem:s24], [sflag:$0x4] =	stream.linear.gather [hbm4b:s6+s4], $0x80, $0x38;
	[tilespmem:$0x1BA80] =	vst v63  }
0x68: {  	s8 =	sadd.s32 $0x30, s9;
	s6 =	simm.s32 $0x20  }
.LBB2_2:
0x69: {  	[tilespmem:s26], [sflag:$0x4] =	stream.linear.gather [hbm4b:s8+s4], $0x80, $0x38;
	[tilespmem:$0x1BA80] =	vst v63  }
0x6a: {  	s8 =	smov.u32 s6  }
0x6b: {  	p2 =	sne.s32 s6, $0x4C0;
	s6 =	sadd.s32 $0x20, s6;
	_ =	swait.ge [sflag:s28], $0x4000  }
0x6c: {  	[sflag:s28] =	ssyncset.done $0x0  }
0x6d: {  	[sflag:s28] =	ssyncadd.s32 $0xFFFFC000  }
0x6e: {  	_ =	swait.ge [sflag:s29], $0x80  }
0x6f: {  	[sflag:s29] =	ssyncset.done $0x0  }
0x70: {  	[sflag:s29] =	ssyncadd.s32 $0xFFFFFF80  }
0x71: {  	_ =	swait.ge [sflag:s29], $0x80  }
0x72: {  	[sflag:s29] =	ssyncset.done $0x0  }
0x73: {  	[sflag:s29] =	ssyncadd.s32 $0xFFFFFF80  }
0x74: {  	[tilespmem:s30], [sflag:$0x2] =	stream.indirect.gather [hbm4b:s1+s24], $0x80, s24, s24, $0xb8;
	[tilespmem:$0x1BA80] =	vst v63  }
0x75: {  	_ = 	snop  }
0x76: {  	[spmem:s2] =	stream.indirect.scatter.add.f32 [tilespmem:s25], [sflag:$0x5], $0x80, s22, s24, $0xb8;
	[tilespmem:$0x1BA80] =	vst v63  }
0x77: {  	_ =	swait.ge [sflag:s21], $0x4000  }
0x78: {  	s9 =	sadd.s32 s8, s19;
	[sflag:s21] =	ssyncset.done $0x0  }
0x79: {  	s8 =	sadd.s32 s8, s20;
	s10 =	sadd.s32 $0x20, s9;
	[sflag:s21] =	ssyncadd.s32 $0xFFFFC000  }
0x7a: {  	[tilespmem:s4], [sflag:$0x3] =	stream.linear.gather [hbm4b:s10+s4], $0x80, $0x38;
	[tilespmem:$0x1BA80] =	vst v63  }
0x7b: {  	s10 =	sadd.s32 $0x20, s8  }
0x7c: {  	[tilespmem:s22], [sflag:$0x3] =	stream.linear.gather [hbm4b:s10+s4], $0x80, $0x38;
	[tilespmem:$0x1BA80] =	vst v63  }
0x7d: {  	_ =	swait.ge [sflag:s31], $0x4000  }
0x7e: {  	[sflag:s31] =	ssyncset.done $0x0  }
0x7f: {  	[sflag:s31] =	ssyncadd.s32 $0xFFFFC000  }
0x80: {  	_ =	swait.ge [sflag:s23], $0x80  }
0x81: {  	[sflag:s23] =	ssyncset.done $0x0  }
0x82: {  	[sflag:s23] =	ssyncadd.s32 $0xFFFFFF80  }
0x83: {  	_ =	swait.ge [sflag:s23], $0x80  }
0x84: {  	[sflag:s23] =	ssyncset.done $0x0  }
0x85: {  	[sflag:s23] =	ssyncadd.s32 $0xFFFFFF80  }
0x86: {  	[tilespmem:s25], [sflag:$0x1] =	stream.indirect.gather [hbm4b:s1+s24], $0x80, s4, s24, $0xb8;
	[tilespmem:$0x1BA80] =	vst v63  }
0x87: {  	_ = 	snop  }
0x88: {  	[spmem:s2] =	stream.indirect.scatter.add.f32 [tilespmem:s30], [sflag:$0x5], $0x80, s26, s24, $0xb8;
	[tilespmem:$0x1BA80] =	vst v63  }
.Ltmp0:
0x89: {  	_ =	swait.ge [sflag:s21], $0x4000;
	(pc) =	sbr.rel @p2 .LBB2_2-.Ltmp0, $4  }
0x8a: {  	[sflag:s21] =	ssyncset.done $0x0  }
0x8b: {  	s9 =	sadd.s32 $0x30, s9;
	[sflag:s21] =	ssyncadd.s32 $0xFFFFC000  }
0x8c: {  	[tilespmem:s24], [sflag:$0x4] =	stream.linear.gather [hbm4b:s9+s4], $0x80, $0x38;
	[tilespmem:$0x1BA80] =	vst v63  }
0x8d: {  	s8 =	sadd.s32 $0x30, s8  }
0x8e: {  	[tilespmem:s26], [sflag:$0x4] =	stream.linear.gather [hbm4b:s8+s4], $0x80, $0x38;
	[tilespmem:$0x1BA80] =	vst v63  }
0x8f: {  	_ =	swait.ge [sflag:s28], $0x4000  }
0x90: {  	[sflag:s28] =	ssyncset.done $0x0  }
0x91: {  	[sflag:s28] =	ssyncadd.s32 $0xFFFFC000  }
0x92: {  	_ =	swait.ge [sflag:s29], $0x80  }
0x93: {  	[sflag:s29] =	ssyncset.done $0x0  }
0x94: {  	[sflag:s29] =	ssyncadd.s32 $0xFFFFFF80  }
0x95: {  	_ =	swait.ge [sflag:s29], $0x80  }
0x96: {  	[sflag:s29] =	ssyncset.done $0x0  }
0x97: {  	[sflag:s29] =	ssyncadd.s32 $0xFFFFFF80  }
0x98: {  	[bflag:$0x0] =	sbarrier.arrive $0xFFFF  }
0x99: {  	[hbm:s16], [sflag:s7] =	dma.local [spmem:s3], $0x2700  }
0x9a: {  	s0 =	sadd.s32 $0x1, s0;
	_ =	swait.ge [sflag:s21], $0x2700  }
0x9b: {  	p2 =	sne.s32 s0, s18;
	[sflag:s21] =	ssyncset.done $0x0  }
.Ltmp1:
0x9c: {  	s3 =	simm.s32 @!p0 $0x5;
	[sflag:s21] =	ssyncadd.s32 $0xFFFFD900;
	(pc) =	sbr.rel @p2 .LBB2_1-.Ltmp1, $4  }
0x9d: {  	[hbm:s17], [sflag:s7] =	dma.local @!p0 [spmem:s5], $0x100  }
0x9e: {  	_ =	swait.ge @!p0 [sflag:s3], $0x100  }
0x9f: {  	[sflag:s3] =	ssyncset.done @!p0 $0x0  }
0xa0: {  	[sflag:s3] =	ssyncadd.s32 @!p0 $0xFFFFFF00  }
0xa1: {  	_ =	sfence.sel $0x180000  }
0xa2: {  	[bflag:$0x0] =	sbarrier.arrive $0xFFFF  }
0xa3: {  	_ =	strace $0x9000004D  }
0xa4: {  	s0 =	stileid.u32;
	[bflag:$0x2] =	sbarrier.arrive $0xFFFF  }
0xa5: {  	p0 =	sne.s32 s0, $0x0;
	s0 =	rddreg [dreg:$0x3]  }
0xa6: {  	s0 =	sadd.s32 @!p0 $0x100000, s0  }
0xa7: {  	[sflag:s0] =	ssyncadd.tile.s32 @!p0 $0x1;
	_ =	shalt  }
.Lfunc_end2:
_tile_overlayer_lowered:
.L_overlay_start_2:
0xa8: {  	(tag) =	ssettag $0x2  }
0xa9: {  	s0 =	rddreg [dreg:$0x0];
	s2 =	stileid.u32  }
0xaa: {  	s1 =	rddreg [dreg:$0x1];
	p0 =	sne.s32 s2, $0x0  }
0xab: {  	s3 =	rddreg [dreg:$0x2];
	[bflag:$0x3] =	sbarrier.arrive $0xFFFF;
	s2 =	simm.s32 @!p0 $0x1C05  }
0xac: {  	[timem:s3], [sflag:s2] =	dma.local @!p0 [hbm:s0], s1  }
0xad: {  	s0 =	simm.s32 @!p0 $0x5  }
0xae: {  	_ =	swait.ge @!p0 [sflag:s0], s1  }
0xaf: {  	s1 =	ssub.s32 @!p0 $0x0, s1;
	[sflag:s0] =	ssyncset.done @!p0 $0x0  }
0xb0: {  	[sflag:s0] =	ssyncadd.s32 @!p0 s1  }
0xb1: {  	[bflag:$0x3] =	sbarrier.arrive $0xFFFF  }
0xb2: {  	_ =	shalt  }

// kernel: kernel.9.cloned.1.call-start
scs
__scs_entry_jumppad:
0x0: {  	(pc) =	sbr.rel $0x88, $3  }
0x1: {  	(tag) =	ssettag $0x0;
	lr =	simm.s32 $0x1  }
0x2: {  	[smem:$0x3F9D] =	sst lr;
	_ =	strace $0xD0000000  }
0x3: {  	_ = 	snop  }
0x4: {  	_ = 	snop  }
0x5: {  	_ = 	snop  }
0x6: {  	_ = 	snop  }
0x7: {  	_ = 	snop  }
__scs_overlays_trampoline_lowered:
0x8: {  	[smem:$0x3FAC] =	sst s0  }
0x9: {  	[smem:$0x3FAD] =	sst s1  }
0xa: {  	[smem:$0x3FAE] =	sst s2  }
0xb: {  	[smem:$0x3FAF] =	sst s3  }
0xc: {  	[smem:$0x3FB0] =	sst s4  }
0xd: {  	[smem:$0x3FB1] =	sst s5  }
0xe: {  	[smem:$0x3FB2] =	sst s6  }
0xf: {  	[smem:$0x3FB3] =	sst s7  }
0x10: {  	[smem:$0x3FB4] =	sst s8  }
0x11: {  	[smem:$0x3FB5] =	sst s9;
	s0 =	simm.s32 @!p0 $0x0  }
0x12: {  	s1 =	sld [smem:$0x3F9B];
	s0 =	simm.s32 @p0 $0x1  }
0x13: {  	[smem:$0x3FB6] =	sst s0;
	s0 =	simm.s32 @!p1 $0x0  }
0x14: {  	s2 =	sld [smem:$0x3F9A];
	s0 =	simm.s32 @p1 $0x1  }
0x15: {  	[smem:$0x3FB7] =	sst s0;
	s0 =	simm.s32 @!p2 $0x0  }
0x16: {  	s3 =	sld [smem:$0x3FDB];
	s0 =	simm.s32 @p2 $0x1  }
0x17: {  	s4 =	simm.s32 $0x1BF5;
	[smem:$0x3FB9] =	sst s0  }
0x18: {  	s0 =	sld [smem:$0x3F9C];
	_ =	swait.ge [sflag:s4], $0x0  }
0x19: {  	s7 =	sld [smem:$0x3F9D]  }
0x1a: {  	s8 =	sadd.s32 $0xFFFFE003, lr  }
0x1b: {  	s9 =	sadd.s32 $0xFFFFFEF7, lr;
	s5 =	simm.s32 $0xFFFFFFFF;
	p2 =	slt.u32 s8, $0xFFFFF086  }
0x1c: {  	p1 =	slt.u32 s9, $0xF7A;
	s5 =	simm.s32 @!p2 $0x0  }
0x1d: {  	s5 =	simm.s32 @p1 $0x1;
	p0 =	seq.s32 s7, s2  }
0x1e: {  	s7 =	smul.u32 @!p0 $0xF7A, s2;
	p2 =	seq.s32 @!p0 s5, $0x0  }
0x1f: {  	s9 =	smul.u32 $0xF7A, s1;
	s8 =	simm.s32 @!p0 $0x1BF5;
	p2 =	por !p2, p0  }
0x20: {  	[sflag:s8] =	ssyncset.s32 @!p0 $0xFFFFF086;
	s6 =	sadd.s32 @!p0 s3, s7;
	s7 =	simm.s32 @!p0 $0x108  }
0x21: {  	s3 =	sadd.s32 s3, s9;
	s6 =	sadd.s32 @!p0 $0x88, s6;
	s7 =	simm.s32 @p2 $0x1082  }
0x22: {  	[simem:s7], [sflag:s8] =	dma.local @!p0 [hbm:s6], $0xF7A  }
0x23: {  	s9 =	sor.u32 $0xD0000000, s2;
	s6 =	simm.s32 $0x108;
	_ =	swait.ge @!p0 [sflag:s8], $0x0  }
0x24: {  	s3 =	sadd.s32 $0x88, s3;
	s6 =	simm.s32 @!p1 $0x1082;
	[sflag:s4] =	ssyncset.s32 $0xFFFFF086  }
0x25: {  	[simem:s6], [sflag:s4] =	dma.local [hbm:s3], $0xF7A  }
0x26: {  	[smem:$0x3F9D] =	sst s1;
	(tag) =	ssettag s2;
	_ =	strace s9  }
0x27: {  	s1 =	sld [smem:$0x3FAD]  }
0x28: {  	s2 =	sld [smem:$0x3FAE]  }
0x29: {  	s4 =	sld [smem:$0x3FB0]  }
0x2a: {  	p0 =	seq.s32 s5, $0x0;
	s5 =	sld [smem:$0x3FB1]  }
0x2b: {  	s6 =	sld [smem:$0x3FB2]  }
0x2c: {  	s7 =	sld [smem:$0x3FB3]  }
0x2d: {  	s3 =	simm.s32 $0x108;
	s8 =	sld [smem:$0x3FB4]  }
0x2e: {  	s3 =	simm.s32 @!p0 $0x1082;
	s9 =	sld [smem:$0x3FB5]  }
0x2f: {  	lr =	sadd.s32 s0, s3;
	s0 =	sld [smem:$0x3FAC]  }
0x30: {  	s3 =	sld [smem:$0x3FAF]  }
0x31: {  	[smem:$0x3FB8] =	sst s10  }
0x32: {  	s10 =	sld [smem:$0x3FB6];
	_ =	sdelay $0x3  }
0x33: {  	p0 =	seq.s32 s10, $0x1;
	s10 =	sld [smem:$0x3FB8];
	_ =	sdelay $0x3  }
0x34: {  	[smem:$0x3FB8] =	sst s10  }
0x35: {  	s10 =	sld [smem:$0x3FB7];
	_ =	sdelay $0x3  }
0x36: {  	p1 =	seq.s32 s10, $0x1;
	s10 =	sld [smem:$0x3FB8];
	_ =	sdelay $0x3  }
0x37: {  	[smem:$0x3FB8] =	sst s10  }
0x38: {  	s10 =	sld [smem:$0x3FB9]  }
0x39: {  	_ = 	snop;
	(pc) =	sbr.ind lr, $3  }
0x3a: {  	_ = 	snop  }
0x3b: {  	_ = 	snop  }
0x3c: {  	p2 =	seq.s32 s10, $0x1;
	s10 =	sld [smem:$0x3FB8]  }
0x3d: {  	_ =	shalt  }
0x3e: {  	_ =	shalt  }
0x3f: {  	_ =	shalt  }
0x40: {  	_ =	shalt  }
0x41: {  	_ =	shalt  }
0x42: {  	_ =	shalt  }
0x43: {  	_ =	shalt  }
0x44: {  	_ =	shalt  }
0x45: {  	_ =	shalt  }
0x46: {  	_ =	shalt  }
0x47: {  	_ =	shalt  }
0x48: {  	_ =	shalt  }
0x49: {  	_ =	shalt  }
0x4a: {  	_ =	shalt  }
0x4b: {  	_ =	shalt  }
0x4c: {  	_ =	shalt  }
0x4d: {  	_ =	shalt  }
0x4e: {  	_ =	shalt  }
0x4f: {  	_ =	shalt  }
0x50: {  	_ =	shalt  }
0x51: {  	_ =	shalt  }
0x52: {  	_ =	shalt  }
0x53: {  	_ =	shalt  }
0x54: {  	_ =	shalt  }
0x55: {  	_ =	shalt  }
0x56: {  	_ =	shalt  }
0x57: {  	_ =	shalt  }
0x58: {  	_ =	shalt  }
0x59: {  	_ =	shalt  }
0x5a: {  	_ =	shalt  }
0x5b: {  	_ =	shalt  }
0x5c: {  	_ =	shalt  }
0x5d: {  	_ =	shalt  }
0x5e: {  	_ =	shalt  }
0x5f: {  	_ =	shalt  }
0x60: {  	_ =	shalt  }
0x61: {  	_ =	shalt  }
0x62: {  	_ =	shalt  }
0x63: {  	_ =	shalt  }
0x64: {  	_ =	shalt  }
0x65: {  	_ =	shalt  }
0x66: {  	_ =	shalt  }
0x67: {  	_ =	shalt  }
0x68: {  	_ =	shalt  }
0x69: {  	_ =	shalt  }
0x6a: {  	_ =	shalt  }
0x6b: {  	_ =	shalt  }
0x6c: {  	_ =	shalt  }
0x6d: {  	_ =	shalt  }
0x6e: {  	_ =	shalt  }
0x6f: {  	_ =	shalt  }
0x70: {  	_ =	shalt  }
0x71: {  	_ =	shalt  }
0x72: {  	_ =	shalt  }
0x73: {  	_ =	shalt  }
0x74: {  	_ =	shalt  }
0x75: {  	_ =	shalt  }
0x76: {  	_ =	shalt  }
0x77: {  	_ =	shalt  }
0x78: {  	_ =	shalt  }
0x79: {  	_ =	shalt  }
0x7a: {  	_ =	shalt  }
0x7b: {  	_ =	shalt  }
0x7c: {  	_ =	shalt  }
0x7d: {  	_ =	shalt  }
0x7e: {  	_ =	shalt  }
0x7f: {  	_ =	shalt  }
0x80: {  	_ =	shalt  }
0x81: {  	_ =	shalt  }
0x82: {  	_ =	shalt  }
0x83: {  	_ =	shalt  }
0x84: {  	_ =	shalt  }
0x85: {  	_ =	shalt  }
0x86: {  	_ =	shalt  }
0x87: {  	_ =	shalt  }
.Lfunc_end0:
.L_simem_size_0:
called_computation_lowered:
.L_overlay_start_0:
0x88: {  	s2 =	sld [smem:$0x3FD9]  }
0x89: {  	s3 =	sld [smem:$0x3FFE];
	_ =	sdelay $0x1  }
0x8a: {  	s1 =	srdreg.scid  }
0x8b: {  	s0 =	sand.u32 $0x1, s1  }
0x8c: {  	s17 =	sshll.u32 s0, $0xA;
	s2 =	sadd.s32 s3, s2  }
0x8d: {  	s2 =	sadd.s32 s2, s17  }
0x8e: {  	[smem:$0x3FC4] =	sst s2  }
0x8f: {  	_ = 	snop  }
0x90: {  	s2 =	sld [smem:$0x3FD0];
	(tm) =	ssettm $0x1  }
0x91: {  	s18 =	sld [smem:$0x3FFB];
	_ =	sdelay $0x3  }
0x92: {  	_ =	strace s18  }
0x93: {  	s3 =	sld [smem:$0x3FFC];
	_ =	sdelay $0x3  }
0x94: {  	_ =	strace s3  }
0x95: {  	s3 =	sld [smem:$0x3FFD];
	_ =	sdelay $0x3  }
0x96: {  	_ =	strace s3  }
0x97: {  	_ =	strace $0x8FFFFFFF  }
0x98: {  	s19 =	sld [smem:$0x3FDB];
	_ =	sdelay $0x1  }
0x99: {  	s4 =	simm.s32 $_scs_section_size  }
0x9a: {  	s5 =	simm.s32 $_size__tile_overlayer_lowered;
	s6 =	simm.s32 $_tile_overlayer_lowered  }
0x9b: {  	s22 =	simm.s32 $0x1BFF;
	s21 =	sshll.u32 s6, $0x1;
	s3 =	sadd.s32 s4, s19  }
0x9c: {  	s7 =	simm.s32 $0x0;
	s20 =	sshll.u32 s5, $0x1;
	s5 =	sadd.s32 s21, s3  }
0x9d: {  	[timem:s7], [sflag:s22] =	dma.local [hbm:s5], s20  }
0x9e: {  	_ =	swait.ge [sflag:s22], s20  }
0x9f: {  	s4 =	ssub.s32 $0x0, s20;
	[sflag:s22] =	ssyncset.done $0x0  }
0xa0: {  	[sflag:s22] =	ssyncadd.s32 s4;
	_ =	sdelay $0x1  }
0xa1: {  	s23 =	simm.s32 $0x1B8B  }
0xa2: {  	_ =	swait.ge [sflag:s23], $0x1  }
0xa3: {  	[sflag:s23] =	ssyncset.done $0x0  }
0xa4: {  	s25 =	simm.s32 $0x1B8E;
	s24 =	sld [smem:$0x3FFE];
	[sflag:s23] =	ssyncadd.s32 $0xFFFFFFFF  }
0xa5: {  	s26 =	simm.s32 $execute0_lowered;
	[smem:$0x3FD2] =	sst s25  }
0xa6: {  	s5 =	sshll.u32 s26, $0x1;
	_ =	strace $0x80000046;
	[dreg:$0x1] =	wrdreg $0xFFFFFFFF  }
0xa7: {  	s28 =	simm.s32 $_size_execute0_lowered;
	s3 =	sadd.s32 s3, s5;
	[dreg:$0x0] =	wrdreg $0x0  }
0xa8: {  	s5 =	sshll.u32 s28, $0x1;
	[dreg:$0x2] =	wrdreg s3  }
0xa9: {  	[dreg:$0x3] =	wrdreg s5  }
0xaa: {  	[dreg:$0x4] =	wrdreg $0xC0  }
0xab: {  	_ =	task [dreg:s7], $0x5FFFF  }
0xac: {  	[dreg:$0x1] =	wrdreg $0xFFFFFFFF  }
0xad: {  	[dreg:$0x0] =	wrdreg $0x60  }
0xae: {  	[dreg:$0x2] =	wrdreg s2  }
0xaf: {  	[dreg:$0x3] =	wrdreg s24  }
0xb0: {  	[dreg:$0x4] =	wrdreg $0x41000  }
0xb1: {  	[dreg:$0x5] =	wrdreg $0x9  }
0xb2: {  	_ =	task.clear_ibuf [dreg:s7], $0x6FFFF;
	_ =	strace $0x90000046  }
0xb3: {  	s29 =	simm.s32 $0x9;
	_ =	strace $0x80000048  }
0xb4: {  	_ =	swait.ge [sflag:s29], $0x1  }
0xb5: {  	[sflag:s29] =	ssyncadd.s32 $0xFFFFFFFF  }
0xb6: {  	_ =	strace $0x90000048  }
0xb7: {  	_ =	sfence  }
0xb8: {  	s30 =	sld [smem:$0x0];
	_ =	sdelay $0x2  }
0xb9: {  	s31 =	sshll.u32 s1, $0xD;
	s1 =	sshrl.u32 s1, $0x2  }
0xba: {  	s3 =	sand.u32 $0x4000, s31;
	s1 =	sadd.s32 s1, s30  }
0xbb: {  	s0 =	sor.u32 s3, s0;
	s1 =	sshll.u32 s1, $0x11  }
0xbc: {  	s0 =	sor.u32 s1, s0  }
0xbd: {  	s0 =	sadd.s32 $0x8F2B, s0  }
0xbe: {  	[sflag:s0] =	ssyncadd.remote.s32 $0x1  }
0xbf: {  	_ =	sfence.sel $0xFFFF  }
0xc0: {  	[dreg:$0x0] =	wrdreg $0xFFFFFFFF;
	(pc) =	sbr.abs _section_cstart, $3  }
0xc1: {  	[dreg:$0x1] =	wrdreg $0xFFFFFFFF  }
0xc2: {  	_ =	task.clear_ibuf [dreg:s7], $0x2FFFF;
	_ =	strace $0x9FFFFFFF  }
0xc3: {  	(tm) =	ssettm $0x7FFFFFFF  }
tec
execute0_lowered:
.L_overlay_start_1:
0x0: {  	(tag) =	ssettag $0x1  }
0x1: {  	s1 =	rddreg [dreg:$0x0]  }
0x2: {  	s5 =	rddreg [dreg:$0x1]  }
0x3: {  	s2 =	rddreg [dreg:$0x2]  }
0x4: {  	s0 =	rddreg [dreg:$0x3];
	s4 =	simm.s32 $0x0;
	s6 =	srdreg.scid  }
0x5: {  	s3 =	stileid.u32;
	s21 =	simm.s32 $0x2;
	s22 =	simm.s32 $0x0  }
0x6: {  	[smem:$0x7FF] =	sst s4;
	s10 =	sand.u32 $0x1, s6;
	s7 =	smul.u32 $0x4E000, s3  }
0x7: {  	s11 =	sadd.s32 $0xBA00, s5;
	s12 =	sadd.s32 $0x15800, s5;
	s13 =	smul.u32 $0x2700, s3  }
0x8: {  	s18 =	sadd.s32 $0x138000, s2;
	s25 =	sshll.u32 s3, $0x4;
	s29 =	smul.u32 $0x4E0, s3  }
0x9: {  	p0 =	sne.s32 s3, $0xF;
	s31 =	sshll.u32 s3, $0x6;
	s15 =	smul.u32 $0x27100, s10  }
0xa: {  	_ =	strace $0x80000047;
	s6 =	ssub.s32 $0x2, s10;
	s16 =	smul.u32 $0x138800, s10  }
0xb: {  	s8 =	sshll.u32 s10, $0x4;
	s20 =	smul.u32 $0x4E00, s10;
	s18 =	sshrl.u32 @!p0 s18, $0x3  }
0xc: {  	s23 =	sshrl.u32 s6, $0x1;
	s7 =	sshrl.u32 s7, $0x2;
	s19 =	sor.u32 s3, s8  }
0xd: {  	s5 =	sadd.s32 s1, s13;
	s8 =	sadd.s32 s25, s11;
	s14 =	ssub.s32 s6, s23  }
0xe: {  	s17 =	sadd.s32 s7, s2;
	s24 =	smul.u32 $0x4E0, s19;
	s6 =	sadd.s32 $0x27000, s1  }
0xf: {  	s8 =	sadd.s32 $0x9C00, s8;
	s26 =	sadd.s32 s13, s15;
	s28 =	sshrl.u32 s16, $0x3  }
0x10: {  	s30 =	sadd.s32 s20, s11;
	s15 =	simm.s32 $0x3;
	s16 =	sor.u32 $0x1C03, s31  }
0x11: {  	p1 =	sgt.u32 s19, $0x3;
	s19 =	simm.s32 $0x80;
	s20 =	simm.s32 $0x1  }
0x12: {  	s10 =	sadd.s32 s12, s26;
	s12 =	sadd.s32 s12, s28;
	s13 =	sadd.s32 s29, s30  }
0x13: {  	s17 =	sshrl.u32 s17, $0x3;
	s7 =	sadd.s32 s11, s24;
	s11 =	sadd.s32 $0x27000, s12  }
0x14: {  	s12 =	smax.u32 s14, $0x1;
	s14 =	simm.s32 $0x100;
	s9 =	sadd.s32 $0x10, s7  }
.LBB2_1:
0x15: {  	[tilespmem:s14], [sflag:$0x3] =	stream.linear.gather [hbm4b:s1+s4], $0x4000, $0x38;
	[tilespmem:$0x17980] =	vst v63  }
0x16: {  	_ =	swait.ge [sflag:s15], $0x4000  }
0x17: {  	[sflag:s15] =	ssyncset.done $0x0  }
0x18: {  	[sflag:s15] =	ssyncadd.s32 $0xFFFFC000  }
0x19: {  	[spmem:s17], [sflag:s16] =	dma.local [hbm:s5], $0x2700  }
0x1a: {  	_ =	swait.ge [sflag:s15], $0x2700  }
0x1b: {  	[sflag:s15] =	ssyncset.done $0x0  }
0x1c: {  	s23 =	simm.s32 @!p0 $0x3;
	[sflag:s15] =	ssyncadd.s32 $0xFFFFD900  }
0x1d: {  	[spmem:s18], [sflag:s16] =	dma.local @!p0 [hbm:s6], $0x100  }
0x1e: {  	_ =	swait.ge @!p0 [sflag:s23], $0x100  }
0x1f: {  	[sflag:s23] =	ssyncset.done @!p0 $0x0  }
0x20: {  	[sflag:s23] =	ssyncadd.s32 @!p0 $0xFFFFFF00  }
0x21: {  	s24 =	simm.s32 @!p1 $0x1;
	s23 =	simm.s32 @!p1 $0x0;
	[bflag:$0x0] =	sbarrier.arrive $0xFFFF  }
0x22: {  	[tilespmem:s23], [sflag:$0x1] =	stream.linear.gather @!p1 [hbm4b:s8+s23], $0x80, $0x38;
	[tilespmem:$0x17980] =	vst v63  }
0x23: {  	_ =	swait.ge @!p1 [sflag:s24], $0x80  }
0x24: {  	[sflag:s24] =	ssyncset.done @!p1 $0x0  }
0x25: {  	s25 =	simm.s32 @!p1 $0x100;
	[sflag:s24] =	ssyncadd.s32 @!p1 $0xFFFFFF80;
	s24 =	simm.s32 @!p1 $0x80  }
0x26: {  	[spmem:s2] =	stream.indirect.scatter.add.f32 @!p1 [tilespmem:s25], [sflag:$0x3], $0x80, s23, s24, $0xb8;
	[tilespmem:$0x17980] =	vst v63  }
0x27: {  	s23 =	simm.s32 @!p1 $0x3  }
0x28: {  	_ =	swait.ge @!p1 [sflag:s23], $0x4000  }
0x29: {  	[sflag:s23] =	ssyncset.done @!p1 $0x0  }
0x2a: {  	[sflag:s23] =	ssyncadd.s32 @!p1 $0xFFFFC000  }
0x2b: {  	[tilespmem:s4], [sflag:$0x1] =	stream.linear.gather [hbm4b:s7+s4], $0x80, $0x38;
	[tilespmem:$0x17980] =	vst v63  }
0x2c: {  	_ = 	snop  }
0x2d: {  	[tilespmem:s19], [sflag:$0x2] =	stream.linear.gather [hbm4b:s9+s4], $0x80, $0x38;
	[tilespmem:$0x17980] =	vst v63  }
0x2e: {  	_ =	swait.ge [sflag:s20], $0x80  }
0x2f: {  	[sflag:s20] =	ssyncset.done $0x0  }
0x30: {  	[sflag:s20] =	ssyncadd.s32 $0xFFFFFF80  }
0x31: {  	[spmem:s2] =	stream.indirect.scatter.add.f32 [tilespmem:s14], [sflag:$0x3], $0x80, s4, s19, $0xb8;
	[tilespmem:$0x17980] =	vst v63  }
0x32: {  	_ =	swait.ge [sflag:s15], $0x4000  }
0x33: {  	s30 =	sadd.s32 $0xFFFFFB20, s13;
	[sflag:s15] =	ssyncset.done $0x0  }
0x34: {  	s31 =	sadd.s32 $0x500, s30;
	[sflag:s15] =	ssyncadd.s32 $0xFFFFC000  }
0x35: {  	[tilespmem:s4], [sflag:$0x1] =	stream.linear.gather [hbm4b:s31+s4], $0x80, $0x38;
	[tilespmem:$0x17980] =	vst v63  }
0x36: {  	_ =	swait.ge [sflag:s21], $0x80  }
0x37: {  	[sflag:s21] =	ssyncset.done $0x0  }
0x38: {  	[sflag:s21] =	ssyncadd.s32 $0xFFFFFF80  }
0x39: {  	[spmem:s2] =	stream.indirect.scatter.add.f32 [tilespmem:s14], [sflag:$0x3], $0x80, s19, s19, $0xb8;
	[tilespmem:$0x17980] =	vst v63  }
0x3a: {  	_ =	swait.ge [sflag:s15], $0x4000  }
0x3b: {  	[sflag:s15] =	ssyncset.done $0x0  }
0x3c: {  	s24 =	sadd.s32 $0x510, s30;
	s23 =	simm.s32 $0xFFFFFB40;
	[sflag:s15] =	ssyncadd.s32 $0xFFFFC000  }
.LBB2_2:
0x3d: {  	[tilespmem:s19], [sflag:$0x2] =	stream.linear.gather [hbm4b:s24+s4], $0x80, $0x38;
	[tilespmem:$0x17980] =	vst v63  }
0x3e: {  	s24 =	smov.u32 s23  }
0x3f: {  	p2 =	sne.s32 s23, $0xFFFFFFE0;
	s23 =	sadd.s32 $0x20, s23;
	_ =	swait.ge [sflag:s20], $0x80  }
0x40: {  	[sflag:s20] =	ssyncset.done $0x0  }
0x41: {  	[sflag:s20] =	ssyncadd.s32 $0xFFFFFF80  }
0x42: {  	[spmem:s2] =	stream.indirect.scatter.add.f32 [tilespmem:s14], [sflag:$0x3], $0x80, s4, s19, $0xb8;
	[tilespmem:$0x17980] =	vst v63  }
0x43: {  	_ =	swait.ge [sflag:s15], $0x4000  }
0x44: {  	s24 =	sadd.s32 s24, s13;
	[sflag:s15] =	ssyncset.done $0x0  }
0x45: {  	s25 =	sadd.s32 $0x500, s24;
	[sflag:s15] =	ssyncadd.s32 $0xFFFFC000  }
0x46: {  	[tilespmem:s4], [sflag:$0x1] =	stream.linear.gather [hbm4b:s25+s4], $0x80, $0x38;
	[tilespmem:$0x17980] =	vst v63  }
0x47: {  	_ =	swait.ge [sflag:s21], $0x80  }
0x48: {  	[sflag:s21] =	ssyncset.done $0x0  }
.Ltmp0:
0x49: {  	[sflag:s21] =	ssyncadd.s32 $0xFFFFFF80;
	(pc) =	sbr.rel @p2 .LBB2_2-.Ltmp0, $4  }
0x4a: {  	[spmem:s2] =	stream.indirect.scatter.add.f32 [tilespmem:s14], [sflag:$0x3], $0x80, s19, s19, $0xb8;
	[tilespmem:$0x17980] =	vst v63  }
0x4b: {  	_ =	swait.ge [sflag:s15], $0x4000  }
0x4c: {  	[sflag:s15] =	ssyncset.done $0x0  }
0x4d: {  	s24 =	sadd.s32 $0x510, s24;
	[sflag:s15] =	ssyncadd.s32 $0xFFFFC000  }
0x4e: {  	[tilespmem:s19], [sflag:$0x2] =	stream.linear.gather [hbm4b:s24+s4], $0x80, $0x38;
	[tilespmem:$0x17980] =	vst v63  }
0x4f: {  	_ =	swait.ge [sflag:s20], $0x80  }
0x50: {  	[sflag:s20] =	ssyncset.done $0x0  }
0x51: {  	[sflag:s20] =	ssyncadd.s32 $0xFFFFFF80  }
0x52: {  	_ =	swait.ge [sflag:s21], $0x80  }
0x53: {  	[sflag:s21] =	ssyncset.done $0x0  }
0x54: {  	[sflag:s21] =	ssyncadd.s32 $0xFFFFFF80  }
0x55: {  	[bflag:$0x0] =	sbarrier.arrive $0xFFFF  }
0x56: {  	[hbm:s10], [sflag:s16] =	dma.local [spmem:s17], $0x2700  }
0x57: {  	s22 =	sadd.s32 $0x1, s22;
	_ =	swait.ge [sflag:s15], $0x2700  }
0x58: {  	p2 =	sne.s32 s22, s12;
	[sflag:s15] =	ssyncset.done $0x0  }
.Ltmp1:
0x59: {  	s23 =	simm.s32 @!p0 $0x3;
	[sflag:s15] =	ssyncadd.s32 $0xFFFFD900;
	(pc) =	sbr.rel @p2 .LBB2_1-.Ltmp1, $4  }
0x5a: {  	[hbm:s11], [sflag:s16] =	dma.local @!p0 [spmem:s18], $0x100  }
0x5b: {  	_ =	swait.ge @!p0 [sflag:s23], $0x100  }
0x5c: {  	[sflag:s23] =	ssyncset.done @!p0 $0x0  }
0x5d: {  	[sflag:s23] =	ssyncadd.s32 @!p0 $0xFFFFFF00  }
0x5e: {  	_ =	sfence.sel $0x180000  }
0x5f: {  	[bflag:$0x0] =	sbarrier.arrive $0xFFFF  }
0x60: {  	p0 =	sne.s32 s3, $0x0;
	_ =	strace $0x90000047  }
0x61: {  	s0 =	sadd.s32 @!p0 $0x100000, s0;
	[bflag:$0x2] =	sbarrier.arrive $0xFFFF  }
0x62: {  	[sflag:s0] =	ssyncadd.tile.s32 @!p0 $0x1;
	_ =	shalt  }
.Lfunc_end2:
_tile_overlayer_lowered:
.L_overlay_start_2:
0x63: {  	(tag) =	ssettag $0x2  }
0x64: {  	s0 =	rddreg [dreg:$0x0];
	s2 =	stileid.u32  }
0x65: {  	s1 =	rddreg [dreg:$0x1];
	p0 =	sne.s32 s2, $0x0  }
0x66: {  	s3 =	rddreg [dreg:$0x2];
	[bflag:$0x3] =	sbarrier.arrive $0xFFFF;
	s2 =	simm.s32 @!p0 $0x1C03  }
0x67: {  	[timem:s3], [sflag:s2] =	dma.local @!p0 [hbm:s0], s1  }
0x68: {  	s0 =	simm.s32 @!p0 $0x3  }
0x69: {  	_ =	swait.ge @!p0 [sflag:s0], s1  }
0x6a: {  	s1 =	ssub.s32 @!p0 $0x0, s1;
	[sflag:s0] =	ssyncset.done @!p0 $0x0  }
0x6b: {  	[sflag:s0] =	ssyncadd.s32 @!p0 s1  }
0x6c: {  	[bflag:$0x3] =	sbarrier.arrive $0xFFFF  }
0x6d: {  	_ =	shalt  }

</sc_bundles>
